<compile_context>
chip_gen: v7x
topology: tpu7x:2x2x1
jax: 0.10.2.dev20260603
libtpu: 0.0.44.dev20260713+nightly
codegen_flags: <defaults>
</compile_context>

<pallas_src>
import functools

import jax
import jax.numpy as jnp
from jax import lax
from jax.experimental import pallas as pl
from jax.experimental.pallas import tpu as pltpu
from jax.experimental.pallas import tpu_sc as plsc

N_NODES = 10000
D = 128
E_EDGES = 320000
NC = 2
NS = 16
K_CHUNKS = 125
C_CHUNK = 80
assert NC * NS * K_CHUNKS * C_CHUNK == E_EDGES
N_PAD = 10240
ROWS_PER_TILE = N_PAD // NS


def _sc_mesh():
    return plsc.VectorSubcoreMesh(core_axis_name="c", subcore_axis_name="s")


@functools.partial(
    pl.kernel,
    mesh=_sc_mesh(),
    out_type=jax.ShapeDtypeStruct((NC, N_PAD, 16), jnp.float32),
    scratch_types=[
        pltpu.VMEM((K_CHUNKS, C_CHUNK), jnp.int32),
        pltpu.VMEM((C_CHUNK, 16), jnp.float32),
        pltpu.VMEM((C_CHUNK, 16), jnp.float32),
        pltpu.VMEM_SHARED((N_PAD, 16), jnp.float32),
    ],
)
def _sc_degree(col_hbm, out_hbm, idx_v, ones_v, zbuf_v, acc_sh):
    c = lax.axis_index("c")
    s = lax.axis_index("s")
    base = s * ROWS_PER_TILE

    def fill_z(i, carry):
        zbuf_v[i, :] = jnp.zeros((16,), jnp.float32)
        return carry

    lax.fori_loop(0, C_CHUNK, fill_z, 0)

    def fill_o(i, carry):
        ones_v[i, :] = jnp.ones((16,), jnp.float32)
        return carry

    lax.fori_loop(0, C_CHUNK, fill_o, 0)

    for r in range(ROWS_PER_TILE // C_CHUNK):
        pltpu.sync_copy(zbuf_v, acc_sh.at[pl.ds(base + r * C_CHUNK, C_CHUNK)])
    pltpu.sync_copy(col_hbm.at[c, s], idx_v)
    plsc.subcore_barrier()

    def step(j, carry):
        pltpu.sync_copy(ones_v, acc_sh.at[idx_v.at[j]], add=True)
        return carry

    lax.fori_loop(0, K_CHUNKS, step, 0)
    plsc.subcore_barrier()
    pltpu.sync_copy(
        acc_sh.at[pl.ds(base, ROWS_PER_TILE)],
        out_hbm.at[c, pl.ds(base, ROWS_PER_TILE)],
    )


@functools.partial(
    pl.kernel,
    mesh=_sc_mesh(),
    out_type=jax.ShapeDtypeStruct((NC, N_PAD, D), jnp.float32),
    scratch_types=[
        pltpu.VMEM((K_CHUNKS, C_CHUNK), jnp.int32),
        pltpu.VMEM((K_CHUNKS, C_CHUNK), jnp.int32),
        pltpu.VMEM((C_CHUNK, D), jnp.float32),
        pltpu.VMEM_SHARED((N_PAD, D), jnp.float32),
        pltpu.SemaphoreType.DMA,
    ],
)
def _sc_aggregate(hp_hbm, row_hbm, col_hbm, out_hbm,
                  ridx_v, cidx_v, buf_v, acc_sh, sem):
    c = lax.axis_index("c")
    s = lax.axis_index("s")
    base = s * ROWS_PER_TILE

    def fill_z(t, carry):
        buf_v[t // 8, pl.ds((t % 8) * 16, 16)] = jnp.zeros((16,), jnp.float32)
        return carry

    lax.fori_loop(0, C_CHUNK * 8, fill_z, 0)

    for r in range(ROWS_PER_TILE // C_CHUNK):
        pltpu.sync_copy(buf_v, acc_sh.at[pl.ds(base + r * C_CHUNK, C_CHUNK)])
    pltpu.sync_copy(row_hbm.at[c, s], ridx_v)
    pltpu.sync_copy(col_hbm.at[c, s], cidx_v)
    plsc.subcore_barrier()

    def step(j, carry):
        pltpu.async_copy(hp_hbm.at[ridx_v.at[j]], buf_v, sem).wait()
        pltpu.sync_copy(buf_v, acc_sh.at[cidx_v.at[j]], add=True)
        return carry

    lax.fori_loop(0, K_CHUNKS, step, 0)
    plsc.subcore_barrier()
    pltpu.sync_copy(
        acc_sh.at[pl.ds(base, ROWS_PER_TILE)],
        out_hbm.at[c, pl.ds(base, ROWS_PER_TILE)],
    )


BR = 400


def _dinv_block(d0_ref, d1_ref):
    deg = d0_ref[:, 0:1] + d1_ref[:, 0:1] + 1.0
    return lax.rsqrt(deg)


def _tc_pre_body(x_ref, w_ref, d0_ref, d1_ref, hp_ref):
    dinv = _dinv_block(d0_ref, d1_ref)
    h = jnp.dot(x_ref[...], w_ref[...], preferred_element_type=jnp.float32)
    hp_ref[...] = h * dinv


def _tc_mid_body(p0_ref, p1_ref, hp_ref, b_ref, w_ref, d0_ref, d1_ref, out_ref):
    dinv = _dinv_block(d0_ref, d1_ref)
    z = dinv * (p0_ref[...] + p1_ref[...] + hp_ref[...]) + b_ref[...]
    h = jnp.maximum(z, 0.0)
    out_ref[...] = jnp.dot(h, w_ref[...], preferred_element_type=jnp.float32) * dinv


def _tc_post_body(p0_ref, p1_ref, hp_ref, b_ref, d0_ref, d1_ref, out_ref):
    dinv = _dinv_block(d0_ref, d1_ref)
    out_ref[...] = dinv * (p0_ref[...] + p1_ref[...] + hp_ref[...]) + b_ref[...]


def _row_spec():
    return pl.BlockSpec((BR, D), lambda i: (i, 0))


def _deg_spec():
    return pl.BlockSpec((BR, 16), lambda i: (i, 0))


def _full_spec():
    return pl.BlockSpec((D, D), lambda i: (0, 0))


def _bias_spec():
    return pl.BlockSpec((1, D), lambda i: (0, 0))


def _tc_pre(x, W, deg0, deg1):
    return pl.pallas_call(
        _tc_pre_body,
        grid=(N_NODES // BR,),
        in_specs=[_row_spec(), _full_spec(), _deg_spec(), _deg_spec()],
        out_specs=_row_spec(),
        out_shape=jax.ShapeDtypeStruct((N_NODES, D), jnp.float32),
    )(x, W, deg0, deg1)


def _tc_mid(p0, p1, hp, b, W, deg0, deg1):
    return pl.pallas_call(
        _tc_mid_body,
        grid=(N_NODES // BR,),
        in_specs=[_row_spec(), _row_spec(), _row_spec(), _bias_spec(),
                  _full_spec(), _deg_spec(), _deg_spec()],
        out_specs=_row_spec(),
        out_shape=jax.ShapeDtypeStruct((N_NODES, D), jnp.float32),
    )(p0, p1, hp, b, W, deg0, deg1)


def _tc_post(p0, p1, hp, b, deg0, deg1):
    return pl.pallas_call(
        _tc_post_body,
        grid=(N_NODES // BR,),
        in_specs=[_row_spec(), _row_spec(), _row_spec(), _bias_spec(),
                  _deg_spec(), _deg_spec()],
        out_specs=_row_spec(),
        out_shape=jax.ShapeDtypeStruct((N_NODES, D), jnp.float32),
    )(p0, p1, hp, b, deg0, deg1)


def kernel(x, edge_index, W1, b1, W2, b2):
    row = edge_index[0].reshape(NC, NS, K_CHUNKS, C_CHUNK)
    col = edge_index[1].reshape(NC, NS, K_CHUNKS, C_CHUNK)

    deg = _sc_degree(col)
    deg0, deg1 = deg[0, :N_NODES], deg[1, :N_NODES]

    hp1 = _tc_pre(x, W1, deg0, deg1)
    agg1 = _sc_aggregate(hp1, row, col)
    hp2 = _tc_mid(agg1[0, :N_NODES], agg1[1, :N_NODES], hp1,
                  b1.reshape(1, D), W2, deg0, deg1)
    agg2 = _sc_aggregate(hp2, row, col)
    out = _tc_post(agg2[0, :N_NODES], agg2[1, :N_NODES], hp2,
                   b2.reshape(1, D), deg0, deg1)
    return out

# --- scband reference (transcript-rebuilt; emitter-appended) ---
"""Pipeline reference for scband-gcn-19396072308950 (READ-ONLY COPY).

The authoritative reference and input builder live on the scoring server;
editing this copy changes nothing except your own understanding.
"""

import jax, jax.numpy as jnp
import numpy as np

N = 10000
E = 320000
D_IN = 128
D_HID = 128
D_OUT = 128


def setup_inputs(seed: int = 0) -> dict:
    key = jax.random.key(seed)
    k1, k2, k3, k4 = jax.random.split(key, 4)
    x = jax.random.normal(k1, (N, D_IN), dtype=jnp.float32)
    edge_index = jax.random.randint(k2, (2, E), 0, N, dtype=jnp.int32)
    W1 = jax.random.normal(k3, (D_IN, D_HID), dtype=jnp.float32) * (1.0 / np.sqrt(D_IN))
    b1 = jnp.zeros((D_HID,), dtype=jnp.float32)
    W2 = jax.random.normal(k4, (D_HID, D_OUT), dtype=jnp.float32) * (1.0 / np.sqrt(D_HID))
    b2 = jnp.zeros((D_OUT,), dtype=jnp.float32)
    return {"x": x, "edge_index": edge_index, "W1": W1, "b1": b1, "W2": W2, "b2": b2}


def gcn_norm(edge_index, num_nodes):
    # add self loops
    loop = jnp.arange(num_nodes, dtype=edge_index.dtype)
    row = jnp.concatenate([edge_index[0], loop])
    col = jnp.concatenate([edge_index[1], loop])
    ew = jnp.ones(row.shape[0], dtype=jnp.float32)
    deg = jax.ops.segment_sum(ew, col, num_segments=num_nodes)
    deg_inv_sqrt = jnp.where(deg > 0, 1.0 / jnp.sqrt(deg), 0.0)
    norm = deg_inv_sqrt[row] * ew * deg_inv_sqrt[col]
    return row, col, norm


def gcn_conv(x, row, col, edge_weight, W, b):
    h = x @ W
    msg = h[row] * edge_weight[:, None]
    out = jax.ops.segment_sum(msg, col, num_segments=x.shape[0])
    return out + b


def reference(x, edge_index, W1, b1, W2, b2):
    row, col, norm = gcn_norm(edge_index, x.shape[0])
    h = jax.nn.relu(gcn_conv(x, row, col, norm, W1, b1))
    # dropout is identity in eval mode
    out = gcn_conv(h, row, col, norm, W2, b2)
    return out

if __name__ == "__main__":
    import jax
    _d = setup_inputs()
    print(jax.jit(kernel)(*tuple(_d.values())))

</pallas_src>

<mosaic_0001>
#map = affine_map<(d0, d1) -> (0, 0)>
#map1 = affine_map<(d0, d1) -> (0, 0, 0, 0)>
#map2 = affine_map<(d0, d1) -> (0, 0, 0)>
module attributes {stable_mosaic.version = 14 : i64} {
  func.func @_sc_aggregate(%arg0: i32, %arg1: i32, %arg2: memref<10000x128xf32, #tpu.memory_space<hbm>>, %arg3: memref<2x16x125x80xi32, #tpu.memory_space<hbm>>, %arg4: memref<2x16x125x80xi32, #tpu.memory_space<hbm>>, %arg5: memref<2x10240x128xf32, #tpu.memory_space<hbm>>, %arg6: memref<125x80xi32, #tpu.memory_space<vmem>>, %arg7: memref<125x80xi32, #tpu.memory_space<vmem>>, %arg8: memref<80x128xf32, #tpu.memory_space<vmem>>, %arg9: memref<10240x128xf32, #tpu.memory_space<vmem_shared>>, %arg10: memref<!tpu.dma_semaphore, #tpu.memory_space<semaphore_mem>>) attributes {dimension_semantics = [#tpu.dimension_semantics<core_parallel>, #tpu.dimension_semantics<subcore_parallel>], iteration_bounds = array<i64: 2, 16>, scalar_prefetch = 0 : i64, scratch_operands = 5 : i64, tpu.core_type = #tpu.core_type<sc_vector_subcore>, window_params = [{transform_indices = #map}, {transform_indices = #map1}, {transform_indices = #map1}, {transform_indices = #map2}]} {
    %mul3A = arith.constant 640 : i32
    %mul3A_0 = arith.muli %arg1, %mul3A : i32
    %scan3A = arith.constant 0 : i32
    %scan3A_1 = arith.constant 0 : i32
    %scan3A_2 = arith.constant 640 : i32
    %scan3A_3 = arith.addi %scan3A_1, %scan3A_2 : i32
    %scan3A_4 = arith.constant 1 : i32
    scf.for %scan3A_28 = %scan3A_1 to %scan3A_3 step %scan3A_4  : i32 {
      %broadcast_in_dim3A = arith.constant 0.000000e+00 : f32
      %broadcast_in_dim3A_29 = vector.broadcast %broadcast_in_dim3A : f32 to vector<16xf32>
      %jit3A = arith.constant 8 : i32
      %div3A = arith.divsi %scan3A_28, %jit3A : i32
      %sign3A = arith.constant 0 : i32
      %sign3A_30 = arith.cmpi sgt, %scan3A_28, %sign3A : i32
      %sign3A_31 = arith.extui %sign3A_30 : i1 to i32
      %sign3A_32 = arith.constant 0 : i32
      %sign3A_33 = arith.cmpi slt, %scan3A_28, %sign3A_32 : i32
      %sign3A_34 = arith.extui %sign3A_33 : i1 to i32
      %sign3A_35 = arith.subi %sign3A_31, %sign3A_34 : i32
      %sign3A_36 = arith.constant 0 : i32
      %sign3A_37 = arith.cmpi sgt, %jit3A, %sign3A_36 : i32
      %sign3A_38 = arith.extui %sign3A_37 : i1 to i32
      %sign3A_39 = arith.constant 0 : i32
      %sign3A_40 = arith.cmpi slt, %jit3A, %sign3A_39 : i32
      %sign3A_41 = arith.extui %sign3A_40 : i1 to i32
      %sign3A_42 = arith.subi %sign3A_38, %sign3A_41 : i32
      %ne3A = arith.cmpi ne, %sign3A_35, %sign3A_42 : i32
      %rem3A = arith.remsi %scan3A_28, %jit3A : i32
      %ne3A_43 = arith.constant 0 : i32
      %ne3A_44 = arith.cmpi ne, %rem3A, %ne3A_43 : i32
      %and3A = arith.andi %ne3A, %ne3A_44 : i1
      %sub3A = arith.constant 1 : i32
      %sub3A_45 = arith.subi %div3A, %sub3A : i32
      %select_n3A = arith.select %and3A, %sub3A_45, %div3A : i32
      %jit3A_46 = arith.constant 8 : i32
      %eq3A = arith.constant 0 : i32
      %eq3A_47 = arith.cmpi eq, %jit3A_46, %eq3A : i32
      %jit3A_48 = arith.constant 1 : i32
      %select_n3A_49 = arith.select %eq3A_47, %jit3A_48, %jit3A_46 : i32
      %rem3A_50 = arith.remsi %scan3A_28, %select_n3A_49 : i32
      %ne3A_51 = arith.constant 0 : i32
      %ne3A_52 = arith.cmpi ne, %rem3A_50, %ne3A_51 : i32
      %lt3A = arith.constant 0 : i32
      %lt3A_53 = arith.cmpi slt, %rem3A_50, %lt3A : i32
      %lt3A_54 = arith.constant 0 : i32
      %lt3A_55 = arith.cmpi slt, %select_n3A_49, %lt3A_54 : i32
      %ne3A_56 = arith.xori %lt3A_53, %lt3A_55 : i1
      %and3A_57 = arith.andi %ne3A_56, %ne3A_52 : i1
      %add3A_58 = arith.addi %rem3A_50, %select_n3A_49 : i32
      %select_n3A_59 = arith.select %and3A_57, %add3A_58, %rem3A_50 : i32
      %mul3A_60 = arith.constant 16 : i32
      %mul3A_61 = arith.muli %select_n3A_59, %mul3A_60 : i32
      %swap3A = arith.index_cast %select_n3A : i32 to index
      %swap3A_62 = arith.index_cast %mul3A_61 : i32 to index
      %swap3A_63 = tpu.vector_load %arg8[%swap3A, %swap3A_62] {strides = array<i32>} : memref<80x128xf32, #tpu.memory_space<vmem>>, vector<1x16xf32>,
      %swap3A_64 = vector.shape_cast %swap3A_63 : vector<1x16xf32> to vector<16xf32>
      %swap3A_65 = vector.shape_cast %broadcast_in_dim3A_29 : vector<16xf32> to vector<1x16xf32>
      tpu.vector_store %arg8[%swap3A, %swap3A_62], %swap3A_65 {strides = array<i32>} : memref<80x128xf32, #tpu.memory_space<vmem>>, vector<1x16xf32>,
    }
    %scan3A_5 = arith.constant 640 : i32
    %add3A = arith.constant 0 : i32
    %add3A_6 = arith.addi %mul3A_0, %add3A : i32
    "tpu.region"() ({
      %run_scoped3A = tpu.sem_alloc : memref<!tpu.dma_semaphore, #tpu.memory_space<semaphore_mem>>
      %dma_start3A = arith.constant 0 : i32
      %dma_start3A_28 = tpu.memref_slice %arg9[%add3A_6, %dma_start3A] : memref<10240x128xf32, #tpu.memory_space<vmem_shared>> -> memref<80x128xf32, #tpu.memory_space<vmem_shared>>
      %dma_start3A_29 = arith.constant 0 : i32
      %dma_start3A_30 = tpu.memref_slice %arg9[%add3A_6, %dma_start3A_29] : memref<10240x128xf32, #tpu.memory_space<vmem_shared>> -> memref<80x128xf32, #tpu.memory_space<vmem_shared>>
      tpu.enqueue_dma source(%arg8 : memref<80x128xf32, #tpu.memory_space<vmem>>) target(%dma_start3A_30 : memref<80x128xf32, #tpu.memory_space<vmem_shared>>) target_semaphore(%run_scoped3A : memref<!tpu.dma_semaphore, #tpu.memory_space<semaphore_mem>>)
      %dma_wait3A = arith.constant 0 : i32
      %dma_wait3A_31 = tpu.memref_slice %arg9[%add3A_6, %dma_wait3A] : memref<10240x128xf32, #tpu.memory_space<vmem_shared>> -> memref<80x128xf32, #tpu.memory_space<vmem_shared>>
      %dma_wait3A_32 = arith.constant 0 : i32
      %dma_wait3A_33 = tpu.memref_slice %arg9[%add3A_6, %dma_wait3A_32] : memref<10240x128xf32, #tpu.memory_space<vmem_shared>> -> memref<80x128xf32, #tpu.memory_space<vmem_shared>>
      tpu.wait_dma2 semaphore(%run_scoped3A : memref<!tpu.dma_semaphore, #tpu.memory_space<semaphore_mem>>) src(%arg8 : memref<80x128xf32, #tpu.memory_space<vmem>>) dst(%dma_wait3A_33 : memref<80x128xf32, #tpu.memory_space<vmem_shared>>)
      tpu.yield
    }) : () -> ()
    %add3A_7 = arith.constant 80 : i32
    %add3A_8 = arith.addi %mul3A_0, %add3A_7 : i32
    "tpu.region"() ({
      %run_scoped3A = tpu.sem_alloc : memref<!tpu.dma_semaphore, #tpu.memory_space<semaphore_mem>>
      %dma_start3A = arith.constant 0 : i32
      %dma_start3A_28 = tpu.memref_slice %arg9[%add3A_8, %dma_start3A] : memref<10240x128xf32, #tpu.memory_space<vmem_shared>> -> memref<80x128xf32, #tpu.memory_space<vmem_shared>>
      %dma_start3A_29 = arith.constant 0 : i32
      %dma_start3A_30 = tpu.memref_slice %arg9[%add3A_8, %dma_start3A_29] : memref<10240x128xf32, #tpu.memory_space<vmem_shared>> -> memref<80x128xf32, #tpu.memory_space<vmem_shared>>
      tpu.enqueue_dma source(%arg8 : memref<80x128xf32, #tpu.memory_space<vmem>>) target(%dma_start3A_30 : memref<80x128xf32, #tpu.memory_space<vmem_shared>>) target_semaphore(%run_scoped3A : memref<!tpu.dma_semaphore, #tpu.memory_space<semaphore_mem>>)
      %dma_wait3A = arith.constant 0 : i32
      %dma_wait3A_31 = tpu.memref_slice %arg9[%add3A_8, %dma_wait3A] : memref<10240x128xf32, #tpu.memory_space<vmem_shared>> -> memref<80x128xf32, #tpu.memory_space<vmem_shared>>
      %dma_wait3A_32 = arith.constant 0 : i32
      %dma_wait3A_33 = tpu.memref_slice %arg9[%add3A_8, %dma_wait3A_32] : memref<10240x128xf32, #tpu.memory_space<vmem_shared>> -> memref<80x128xf32, #tpu.memory_space<vmem_shared>>
      tpu.wait_dma2 semaphore(%run_scoped3A : memref<!tpu.dma_semaphore, #tpu.memory_space<semaphore_mem>>) src(%arg8 : memref<80x128xf32, #tpu.memory_space<vmem>>) dst(%dma_wait3A_33 : memref<80x128xf32, #tpu.memory_space<vmem_shared>>)
      tpu.yield
    }) : () -> ()
    %add3A_9 = arith.constant 160 : i32
    %add3A_10 = arith.addi %mul3A_0, %add3A_9 : i32
    "tpu.region"() ({
      %run_scoped3A = tpu.sem_alloc : memref<!tpu.dma_semaphore, #tpu.memory_space<semaphore_mem>>
      %dma_start3A = arith.constant 0 : i32
      %dma_start3A_28 = tpu.memref_slice %arg9[%add3A_10, %dma_start3A] : memref<10240x128xf32, #tpu.memory_space<vmem_shared>> -> memref<80x128xf32, #tpu.memory_space<vmem_shared>>
      %dma_start3A_29 = arith.constant 0 : i32
      %dma_start3A_30 = tpu.memref_slice %arg9[%add3A_10, %dma_start3A_29] : memref<10240x128xf32, #tpu.memory_space<vmem_shared>> -> memref<80x128xf32, #tpu.memory_space<vmem_shared>>
      tpu.enqueue_dma source(%arg8 : memref<80x128xf32, #tpu.memory_space<vmem>>) target(%dma_start3A_30 : memref<80x128xf32, #tpu.memory_space<vmem_shared>>) target_semaphore(%run_scoped3A : memref<!tpu.dma_semaphore, #tpu.memory_space<semaphore_mem>>)
      %dma_wait3A = arith.constant 0 : i32
      %dma_wait3A_31 = tpu.memref_slice %arg9[%add3A_10, %dma_wait3A] : memref<10240x128xf32, #tpu.memory_space<vmem_shared>> -> memref<80x128xf32, #tpu.memory_space<vmem_shared>>
      %dma_wait3A_32 = arith.constant 0 : i32
      %dma_wait3A_33 = tpu.memref_slice %arg9[%add3A_10, %dma_wait3A_32] : memref<10240x128xf32, #tpu.memory_space<vmem_shared>> -> memref<80x128xf32, #tpu.memory_space<vmem_shared>>
      tpu.wait_dma2 semaphore(%run_scoped3A : memref<!tpu.dma_semaphore, #tpu.memory_space<semaphore_mem>>) src(%arg8 : memref<80x128xf32, #tpu.memory_space<vmem>>) dst(%dma_wait3A_33 : memref<80x128xf32, #tpu.memory_space<vmem_shared>>)
      tpu.yield
    }) : () -> ()
    %add3A_11 = arith.constant 240 : i32
    %add3A_12 = arith.addi %mul3A_0, %add3A_11 : i32
    "tpu.region"() ({
      %run_scoped3A = tpu.sem_alloc : memref<!tpu.dma_semaphore, #tpu.memory_space<semaphore_mem>>
      %dma_start3A = arith.constant 0 : i32
      %dma_start3A_28 = tpu.memref_slice %arg9[%add3A_12, %dma_start3A] : memref<10240x128xf32, #tpu.memory_space<vmem_shared>> -> memref<80x128xf32, #tpu.memory_space<vmem_shared>>
      %dma_start3A_29 = arith.constant 0 : i32
      %dma_start3A_30 = tpu.memref_slice %arg9[%add3A_12, %dma_start3A_29] : memref<10240x128xf32, #tpu.memory_space<vmem_shared>> -> memref<80x128xf32, #tpu.memory_space<vmem_shared>>
      tpu.enqueue_dma source(%arg8 : memref<80x128xf32, #tpu.memory_space<vmem>>) target(%dma_start3A_30 : memref<80x128xf32, #tpu.memory_space<vmem_shared>>) target_semaphore(%run_scoped3A : memref<!tpu.dma_semaphore, #tpu.memory_space<semaphore_mem>>)
      %dma_wait3A = arith.constant 0 : i32
      %dma_wait3A_31 = tpu.memref_slice %arg9[%add3A_12, %dma_wait3A] : memref<10240x128xf32, #tpu.memory_space<vmem_shared>> -> memref<80x128xf32, #tpu.memory_space<vmem_shared>>
      %dma_wait3A_32 = arith.constant 0 : i32
      %dma_wait3A_33 = tpu.memref_slice %arg9[%add3A_12, %dma_wait3A_32] : memref<10240x128xf32, #tpu.memory_space<vmem_shared>> -> memref<80x128xf32, #tpu.memory_space<vmem_shared>>
      tpu.wait_dma2 semaphore(%run_scoped3A : memref<!tpu.dma_semaphore, #tpu.memory_space<semaphore_mem>>) src(%arg8 : memref<80x128xf32, #tpu.memory_space<vmem>>) dst(%dma_wait3A_33 : memref<80x128xf32, #tpu.memory_space<vmem_shared>>)
      tpu.yield
    }) : () -> ()
    %add3A_13 = arith.constant 320 : i32
    %add3A_14 = arith.addi %mul3A_0, %add3A_13 : i32
    "tpu.region"() ({
      %run_scoped3A = tpu.sem_alloc : memref<!tpu.dma_semaphore, #tpu.memory_space<semaphore_mem>>
      %dma_start3A = arith.constant 0 : i32
      %dma_start3A_28 = tpu.memref_slice %arg9[%add3A_14, %dma_start3A] : memref<10240x128xf32, #tpu.memory_space<vmem_shared>> -> memref<80x128xf32, #tpu.memory_space<vmem_shared>>
      %dma_start3A_29 = arith.constant 0 : i32
      %dma_start3A_30 = tpu.memref_slice %arg9[%add3A_14, %dma_start3A_29] : memref<10240x128xf32, #tpu.memory_space<vmem_shared>> -> memref<80x128xf32, #tpu.memory_space<vmem_shared>>
      tpu.enqueue_dma source(%arg8 : memref<80x128xf32, #tpu.memory_space<vmem>>) target(%dma_start3A_30 : memref<80x128xf32, #tpu.memory_space<vmem_shared>>) target_semaphore(%run_scoped3A : memref<!tpu.dma_semaphore, #tpu.memory_space<semaphore_mem>>)
      %dma_wait3A = arith.constant 0 : i32
      %dma_wait3A_31 = tpu.memref_slice %arg9[%add3A_14, %dma_wait3A] : memref<10240x128xf32, #tpu.memory_space<vmem_shared>> -> memref<80x128xf32, #tpu.memory_space<vmem_shared>>
      %dma_wait3A_32 = arith.constant 0 : i32
      %dma_wait3A_33 = tpu.memref_slice %arg9[%add3A_14, %dma_wait3A_32] : memref<10240x128xf32, #tpu.memory_space<vmem_shared>> -> memref<80x128xf32, #tpu.memory_space<vmem_shared>>
      tpu.wait_dma2 semaphore(%run_scoped3A : memref<!tpu.dma_semaphore, #tpu.memory_space<semaphore_mem>>) src(%arg8 : memref<80x128xf32, #tpu.memory_space<vmem>>) dst(%dma_wait3A_33 : memref<80x128xf32, #tpu.memory_space<vmem_shared>>)
      tpu.yield
    }) : () -> ()
    %add3A_15 = arith.constant 400 : i32
    %add3A_16 = arith.addi %mul3A_0, %add3A_15 : i32
    "tpu.region"() ({
      %run_scoped3A = tpu.sem_alloc : memref<!tpu.dma_semaphore, #tpu.memory_space<semaphore_mem>>
      %dma_start3A = arith.constant 0 : i32
      %dma_start3A_28 = tpu.memref_slice %arg9[%add3A_16, %dma_start3A] : memref<10240x128xf32, #tpu.memory_space<vmem_shared>> -> memref<80x128xf32, #tpu.memory_space<vmem_shared>>
      %dma_start3A_29 = arith.constant 0 : i32
      %dma_start3A_30 = tpu.memref_slice %arg9[%add3A_16, %dma_start3A_29] : memref<10240x128xf32, #tpu.memory_space<vmem_shared>> -> memref<80x128xf32, #tpu.memory_space<vmem_shared>>
      tpu.enqueue_dma source(%arg8 : memref<80x128xf32, #tpu.memory_space<vmem>>) target(%dma_start3A_30 : memref<80x128xf32, #tpu.memory_space<vmem_shared>>) target_semaphore(%run_scoped3A : memref<!tpu.dma_semaphore, #tpu.memory_space<semaphore_mem>>)
      %dma_wait3A = arith.constant 0 : i32
      %dma_wait3A_31 = tpu.memref_slice %arg9[%add3A_16, %dma_wait3A] : memref<10240x128xf32, #tpu.memory_space<vmem_shared>> -> memref<80x128xf32, #tpu.memory_space<vmem_shared>>
      %dma_wait3A_32 = arith.constant 0 : i32
      %dma_wait3A_33 = tpu.memref_slice %arg9[%add3A_16, %dma_wait3A_32] : memref<10240x128xf32, #tpu.memory_space<vmem_shared>> -> memref<80x128xf32, #tpu.memory_space<vmem_shared>>
      tpu.wait_dma2 semaphore(%run_scoped3A : memref<!tpu.dma_semaphore, #tpu.memory_space<semaphore_mem>>) src(%arg8 : memref<80x128xf32, #tpu.memory_space<vmem>>) dst(%dma_wait3A_33 : memref<80x128xf32, #tpu.memory_space<vmem_shared>>)
      tpu.yield
    }) : () -> ()
    %add3A_17 = arith.constant 480 : i32
    %add3A_18 = arith.addi %mul3A_0, %add3A_17 : i32
    "tpu.region"() ({
      %run_scoped3A = tpu.sem_alloc : memref<!tpu.dma_semaphore, #tpu.memory_space<semaphore_mem>>
      %dma_start3A = arith.constant 0 : i32
      %dma_start3A_28 = tpu.memref_slice %arg9[%add3A_18, %dma_start3A] : memref<10240x128xf32, #tpu.memory_space<vmem_shared>> -> memref<80x128xf32, #tpu.memory_space<vmem_shared>>
      %dma_start3A_29 = arith.constant 0 : i32
      %dma_start3A_30 = tpu.memref_slice %arg9[%add3A_18, %dma_start3A_29] : memref<10240x128xf32, #tpu.memory_space<vmem_shared>> -> memref<80x128xf32, #tpu.memory_space<vmem_shared>>
      tpu.enqueue_dma source(%arg8 : memref<80x128xf32, #tpu.memory_space<vmem>>) target(%dma_start3A_30 : memref<80x128xf32, #tpu.memory_space<vmem_shared>>) target_semaphore(%run_scoped3A : memref<!tpu.dma_semaphore, #tpu.memory_space<semaphore_mem>>)
      %dma_wait3A = arith.constant 0 : i32
      %dma_wait3A_31 = tpu.memref_slice %arg9[%add3A_18, %dma_wait3A] : memref<10240x128xf32, #tpu.memory_space<vmem_shared>> -> memref<80x128xf32, #tpu.memory_space<vmem_shared>>
      %dma_wait3A_32 = arith.constant 0 : i32
      %dma_wait3A_33 = tpu.memref_slice %arg9[%add3A_18, %dma_wait3A_32] : memref<10240x128xf32, #tpu.memory_space<vmem_shared>> -> memref<80x128xf32, #tpu.memory_space<vmem_shared>>
      tpu.wait_dma2 semaphore(%run_scoped3A : memref<!tpu.dma_semaphore, #tpu.memory_space<semaphore_mem>>) src(%arg8 : memref<80x128xf32, #tpu.memory_space<vmem>>) dst(%dma_wait3A_33 : memref<80x128xf32, #tpu.memory_space<vmem_shared>>)
      tpu.yield
    }) : () -> ()
    %add3A_19 = arith.constant 560 : i32
    %add3A_20 = arith.addi %mul3A_0, %add3A_19 : i32
    "tpu.region"() ({
      %run_scoped3A = tpu.sem_alloc : memref<!tpu.dma_semaphore, #tpu.memory_space<semaphore_mem>>
      %dma_start3A = arith.constant 0 : i32
      %dma_start3A_28 = tpu.memref_slice %arg9[%add3A_20, %dma_start3A] : memref<10240x128xf32, #tpu.memory_space<vmem_shared>> -> memref<80x128xf32, #tpu.memory_space<vmem_shared>>
      %dma_start3A_29 = arith.constant 0 : i32
      %dma_start3A_30 = tpu.memref_slice %arg9[%add3A_20, %dma_start3A_29] : memref<10240x128xf32, #tpu.memory_space<vmem_shared>> -> memref<80x128xf32, #tpu.memory_space<vmem_shared>>
      tpu.enqueue_dma source(%arg8 : memref<80x128xf32, #tpu.memory_space<vmem>>) target(%dma_start3A_30 : memref<80x128xf32, #tpu.memory_space<vmem_shared>>) target_semaphore(%run_scoped3A : memref<!tpu.dma_semaphore, #tpu.memory_space<semaphore_mem>>)
      %dma_wait3A = arith.constant 0 : i32
      %dma_wait3A_31 = tpu.memref_slice %arg9[%add3A_20, %dma_wait3A] : memref<10240x128xf32, #tpu.memory_space<vmem_shared>> -> memref<80x128xf32, #tpu.memory_space<vmem_shared>>
      %dma_wait3A_32 = arith.constant 0 : i32
      %dma_wait3A_33 = tpu.memref_slice %arg9[%add3A_20, %dma_wait3A_32] : memref<10240x128xf32, #tpu.memory_space<vmem_shared>> -> memref<80x128xf32, #tpu.memory_space<vmem_shared>>
      tpu.wait_dma2 semaphore(%run_scoped3A : memref<!tpu.dma_semaphore, #tpu.memory_space<semaphore_mem>>) src(%arg8 : memref<80x128xf32, #tpu.memory_space<vmem>>) dst(%dma_wait3A_33 : memref<80x128xf32, #tpu.memory_space<vmem_shared>>)
      tpu.yield
    }) : () -> ()
    "tpu.region"() ({
      %run_scoped3A = tpu.sem_alloc : memref<!tpu.dma_semaphore, #tpu.memory_space<semaphore_mem>>
      %dma_start3A = arith.constant 0 : i32
      %dma_start3A_28 = arith.constant 0 : i32
      %dma_start3A_29 = tpu.memref_slice %arg3[%arg0, %arg1, %dma_start3A, %dma_start3A_28] : memref<2x16x125x80xi32, #tpu.memory_space<hbm>> -> memref<1x1x125x80xi32, #tpu.memory_space<hbm>>
      %dma_start3A_30 = tpu.memref_squeeze %dma_start3A_29 : memref<1x1x125x80xi32, #tpu.memory_space<hbm>> -> memref<125x80xi32, #tpu.memory_space<hbm>>
      %dma_start3A_31 = arith.constant 0 : i32
      %dma_start3A_32 = arith.constant 0 : i32
      %dma_start3A_33 = tpu.memref_slice %arg3[%arg0, %arg1, %dma_start3A_31, %dma_start3A_32] : memref<2x16x125x80xi32, #tpu.memory_space<hbm>> -> memref<1x1x125x80xi32, #tpu.memory_space<hbm>>
      %dma_start3A_34 = tpu.memref_squeeze %dma_start3A_33 : memref<1x1x125x80xi32, #tpu.memory_space<hbm>> -> memref<125x80xi32, #tpu.memory_space<hbm>>
      tpu.enqueue_dma source(%dma_start3A_34 : memref<125x80xi32, #tpu.memory_space<hbm>>) target(%arg6 : memref<125x80xi32, #tpu.memory_space<vmem>>) target_semaphore(%run_scoped3A : memref<!tpu.dma_semaphore, #tpu.memory_space<semaphore_mem>>)
      %dma_wait3A = arith.constant 0 : i32
      %dma_wait3A_35 = arith.constant 0 : i32
      %dma_wait3A_36 = tpu.memref_slice %arg3[%arg0, %arg1, %dma_wait3A, %dma_wait3A_35] : memref<2x16x125x80xi32, #tpu.memory_space<hbm>> -> memref<1x1x125x80xi32, #tpu.memory_space<hbm>>
      %dma_wait3A_37 = tpu.memref_squeeze %dma_wait3A_36 : memref<1x1x125x80xi32, #tpu.memory_space<hbm>> -> memref<125x80xi32, #tpu.memory_space<hbm>>
      %dma_wait3A_38 = arith.constant 0 : i32
      %dma_wait3A_39 = arith.constant 0 : i32
      %dma_wait3A_40 = tpu.memref_slice %arg3[%arg0, %arg1, %dma_wait3A_38, %dma_wait3A_39] : memref<2x16x125x80xi32, #tpu.memory_space<hbm>> -> memref<1x1x125x80xi32, #tpu.memory_space<hbm>>
      %dma_wait3A_41 = tpu.memref_squeeze %dma_wait3A_40 : memref<1x1x125x80xi32, #tpu.memory_space<hbm>> -> memref<125x80xi32, #tpu.memory_space<hbm>>
      tpu.wait_dma2 semaphore(%run_scoped3A : memref<!tpu.dma_semaphore, #tpu.memory_space<semaphore_mem>>) src(%dma_wait3A_41 : memref<125x80xi32, #tpu.memory_space<hbm>>) dst(%arg6 : memref<125x80xi32, #tpu.memory_space<vmem>>)
      tpu.yield
    }) : () -> ()
    "tpu.region"() ({
      %run_scoped3A = tpu.sem_alloc : memref<!tpu.dma_semaphore, #tpu.memory_space<semaphore_mem>>
      %dma_start3A = arith.constant 0 : i32
      %dma_start3A_28 = arith.constant 0 : i32
      %dma_start3A_29 = tpu.memref_slice %arg4[%arg0, %arg1, %dma_start3A, %dma_start3A_28] : memref<2x16x125x80xi32, #tpu.memory_space<hbm>> -> memref<1x1x125x80xi32, #tpu.memory_space<hbm>>
      %dma_start3A_30 = tpu.memref_squeeze %dma_start3A_29 : memref<1x1x125x80xi32, #tpu.memory_space<hbm>> -> memref<125x80xi32, #tpu.memory_space<hbm>>
      %dma_start3A_31 = arith.constant 0 : i32
      %dma_start3A_32 = arith.constant 0 : i32
      %dma_start3A_33 = tpu.memref_slice %arg4[%arg0, %arg1, %dma_start3A_31, %dma_start3A_32] : memref<2x16x125x80xi32, #tpu.memory_space<hbm>> -> memref<1x1x125x80xi32, #tpu.memory_space<hbm>>
      %dma_start3A_34 = tpu.memref_squeeze %dma_start3A_33 : memref<1x1x125x80xi32, #tpu.memory_space<hbm>> -> memref<125x80xi32, #tpu.memory_space<hbm>>
      tpu.enqueue_dma source(%dma_start3A_34 : memref<125x80xi32, #tpu.memory_space<hbm>>) target(%arg7 : memref<125x80xi32, #tpu.memory_space<vmem>>) target_semaphore(%run_scoped3A : memref<!tpu.dma_semaphore, #tpu.memory_space<semaphore_mem>>)
      %dma_wait3A = arith.constant 0 : i32
      %dma_wait3A_35 = arith.constant 0 : i32
      %dma_wait3A_36 = tpu.memref_slice %arg4[%arg0, %arg1, %dma_wait3A, %dma_wait3A_35] : memref<2x16x125x80xi32, #tpu.memory_space<hbm>> -> memref<1x1x125x80xi32, #tpu.memory_space<hbm>>
      %dma_wait3A_37 = tpu.memref_squeeze %dma_wait3A_36 : memref<1x1x125x80xi32, #tpu.memory_space<hbm>> -> memref<125x80xi32, #tpu.memory_space<hbm>>
      %dma_wait3A_38 = arith.constant 0 : i32
      %dma_wait3A_39 = arith.constant 0 : i32
      %dma_wait3A_40 = tpu.memref_slice %arg4[%arg0, %arg1, %dma_wait3A_38, %dma_wait3A_39] : memref<2x16x125x80xi32, #tpu.memory_space<hbm>> -> memref<1x1x125x80xi32, #tpu.memory_space<hbm>>
      %dma_wait3A_41 = tpu.memref_squeeze %dma_wait3A_40 : memref<1x1x125x80xi32, #tpu.memory_space<hbm>> -> memref<125x80xi32, #tpu.memory_space<hbm>>
      tpu.wait_dma2 semaphore(%run_scoped3A : memref<!tpu.dma_semaphore, #tpu.memory_space<semaphore_mem>>) src(%dma_wait3A_41 : memref<125x80xi32, #tpu.memory_space<hbm>>) dst(%arg7 : memref<125x80xi32, #tpu.memory_space<vmem>>)
      tpu.yield
    }) : () -> ()
    %barrier3A = arith.constant 0 : index
    tpu.barrier barrier_id(%barrier3A)
    %scan3A_21 = arith.constant 0 : i32
    %scan3A_22 = arith.constant 0 : i32
    %scan3A_23 = arith.constant 125 : i32
    %scan3A_24 = arith.addi %scan3A_22, %scan3A_23 : i32
    %scan3A_25 = arith.constant 1 : i32
    scf.for %scan3A_28 = %scan3A_22 to %scan3A_24 step %scan3A_25  : i32 {
      %dma_start3A = arith.constant 0 : i32
      %dma_start3A_29 = tpu.memref_slice %arg6[%scan3A_28, %dma_start3A] : memref<125x80xi32, #tpu.memory_space<vmem>> -> memref<1x80xi32, #tpu.memory_space<vmem>>
      %dma_start3A_30 = tpu.memref_squeeze %dma_start3A_29 : memref<1x80xi32, #tpu.memory_space<vmem>> -> memref<80xi32, #tpu.memory_space<vmem>>
      %dma_start3A_31 = arith.constant 0 : i32
      %dma_start3A_32 = arith.constant 0 : i32
      %dma_start3A_33 = tpu.memref_slice %arg2[%dma_start3A_31, %dma_start3A_32] : memref<10000x128xf32, #tpu.memory_space<hbm>> -> memref<10000x128xf32, #tpu.memory_space<hbm>>
      tpu.enqueue_indirect_dma source(%dma_start3A_33 : memref<10000x128xf32, #tpu.memory_space<hbm>>) target(%arg8 : memref<80x128xf32, #tpu.memory_space<vmem>>) offsets(%dma_start3A_30 : memref<80xi32, #tpu.memory_space<vmem>>) semaphore(%arg10 : memref<!tpu.dma_semaphore, #tpu.memory_space<semaphore_mem>>)
      %dma_wait3A = arith.constant 0 : i32
      %dma_wait3A_34 = tpu.memref_slice %arg6[%scan3A_28, %dma_wait3A] : memref<125x80xi32, #tpu.memory_space<vmem>> -> memref<1x80xi32, #tpu.memory_space<vmem>>
      %dma_wait3A_35 = tpu.memref_squeeze %dma_wait3A_34 : memref<1x80xi32, #tpu.memory_space<vmem>> -> memref<80xi32, #tpu.memory_space<vmem>>
      %dma_wait3A_36 = arith.constant 0 : i32
      %dma_wait3A_37 = arith.constant 0 : i32
      %dma_wait3A_38 = tpu.memref_slice %arg2[%dma_wait3A_36, %dma_wait3A_37] : memref<10000x128xf32, #tpu.memory_space<hbm>> -> memref<10000x128xf32, #tpu.memory_space<hbm>>
      tpu.wait_indirect_dma semaphore(%arg10 : memref<!tpu.dma_semaphore, #tpu.memory_space<semaphore_mem>>) src(%dma_wait3A_38 : memref<10000x128xf32, #tpu.memory_space<hbm>>) dst(%arg8 : memref<80x128xf32, #tpu.memory_space<vmem>>)
      "tpu.region"() ({
        %run_scoped3A = tpu.sem_alloc : memref<!tpu.dma_semaphore, #tpu.memory_space<semaphore_mem>>
        %dma_start3A_39 = arith.constant 0 : i32
        %dma_start3A_40 = tpu.memref_slice %arg7[%scan3A_28, %dma_start3A_39] : memref<125x80xi32, #tpu.memory_space<vmem>> -> memref<1x80xi32, #tpu.memory_space<vmem>>
        %dma_start3A_41 = tpu.memref_squeeze %dma_start3A_40 : memref<1x80xi32, #tpu.memory_space<vmem>> -> memref<80xi32, #tpu.memory_space<vmem>>
        %dma_start3A_42 = arith.constant 0 : i32
        %dma_start3A_43 = arith.constant 0 : i32
        %dma_start3A_44 = tpu.memref_slice %arg9[%dma_start3A_42, %dma_start3A_43] : memref<10240x128xf32, #tpu.memory_space<vmem_shared>> -> memref<10240x128xf32, #tpu.memory_space<vmem_shared>>
        tpu.enqueue_indirect_dma source(%arg8 : memref<80x128xf32, #tpu.memory_space<vmem>>) target(%dma_start3A_44 : memref<10240x128xf32, #tpu.memory_space<vmem_shared>>) offsets(%dma_start3A_41 : memref<80xi32, #tpu.memory_space<vmem>>) semaphore(%run_scoped3A : memref<!tpu.dma_semaphore, #tpu.memory_space<semaphore_mem>>) {add = true}
        %dma_wait3A_45 = arith.constant 0 : i32
        %dma_wait3A_46 = tpu.memref_slice %arg7[%scan3A_28, %dma_wait3A_45] : memref<125x80xi32, #tpu.memory_space<vmem>> -> memref<1x80xi32, #tpu.memory_space<vmem>>
        %dma_wait3A_47 = tpu.memref_squeeze %dma_wait3A_46 : memref<1x80xi32, #tpu.memory_space<vmem>> -> memref<80xi32, #tpu.memory_space<vmem>>
        %dma_wait3A_48 = arith.constant 0 : i32
        %dma_wait3A_49 = arith.constant 0 : i32
        %dma_wait3A_50 = tpu.memref_slice %arg9[%dma_wait3A_48, %dma_wait3A_49] : memref<10240x128xf32, #tpu.memory_space<vmem_shared>> -> memref<10240x128xf32, #tpu.memory_space<vmem_shared>>
        tpu.wait_indirect_dma semaphore(%run_scoped3A : memref<!tpu.dma_semaphore, #tpu.memory_space<semaphore_mem>>) src(%arg8 : memref<80x128xf32, #tpu.memory_space<vmem>>) dst(%dma_wait3A_50 : memref<10240x128xf32, #tpu.memory_space<vmem_shared>>)
        tpu.yield
      }) : () -> ()
    }
    %scan3A_26 = arith.constant 125 : i32
    %barrier3A_27 = arith.constant 0 : index
    tpu.barrier barrier_id(%barrier3A_27)
    "tpu.region"() ({
      %run_scoped3A = tpu.sem_alloc : memref<!tpu.dma_semaphore, #tpu.memory_space<semaphore_mem>>
      %dma_start3A = arith.constant 0 : i32
      %dma_start3A_28 = tpu.memref_slice %arg5[%arg0, %mul3A_0, %dma_start3A] : memref<2x10240x128xf32, #tpu.memory_space<hbm>> -> memref<1x640x128xf32, #tpu.memory_space<hbm>>
      %dma_start3A_29 = tpu.memref_squeeze %dma_start3A_28 : memref<1x640x128xf32, #tpu.memory_space<hbm>> -> memref<640x128xf32, #tpu.memory_space<hbm>>
      %dma_start3A_30 = arith.constant 0 : i32
      %dma_start3A_31 = tpu.memref_slice %arg9[%mul3A_0, %dma_start3A_30] : memref<10240x128xf32, #tpu.memory_space<vmem_shared>> -> memref<640x128xf32, #tpu.memory_space<vmem_shared>>
      tpu.enqueue_dma source(%dma_start3A_31 : memref<640x128xf32, #tpu.memory_space<vmem_shared>>) target(%dma_start3A_29 : memref<640x128xf32, #tpu.memory_space<hbm>>) target_semaphore(%run_scoped3A : memref<!tpu.dma_semaphore, #tpu.memory_space<semaphore_mem>>)
      %dma_wait3A = arith.constant 0 : i32
      %dma_wait3A_32 = tpu.memref_slice %arg5[%arg0, %mul3A_0, %dma_wait3A] : memref<2x10240x128xf32, #tpu.memory_space<hbm>> -> memref<1x640x128xf32, #tpu.memory_space<hbm>>
      %dma_wait3A_33 = tpu.memref_squeeze %dma_wait3A_32 : memref<1x640x128xf32, #tpu.memory_space<hbm>> -> memref<640x128xf32, #tpu.memory_space<hbm>>
      %dma_wait3A_34 = arith.constant 0 : i32
      %dma_wait3A_35 = tpu.memref_slice %arg9[%mul3A_0, %dma_wait3A_34] : memref<10240x128xf32, #tpu.memory_space<vmem_shared>> -> memref<640x128xf32, #tpu.memory_space<vmem_shared>>
      tpu.wait_dma2 semaphore(%run_scoped3A : memref<!tpu.dma_semaphore, #tpu.memory_space<semaphore_mem>>) src(%dma_wait3A_35 : memref<640x128xf32, #tpu.memory_space<vmem_shared>>) dst(%dma_wait3A_33 : memref<640x128xf32, #tpu.memory_space<hbm>>)
      tpu.yield
    }) : () -> ()
    return
  }
}

#map = affine_map<(d0, d1) -> (0, 0)>
#map1 = affine_map<(d0, d1) -> (0, 0, 0, 0)>
#map2 = affine_map<(d0, d1) -> (0, 0, 0)>
module attributes {stable_mosaic.version = 14 : i64} {
  func.func @_sc_aggregate(%arg0: i32, %arg1: i32, %arg2: memref<10000x128xf32, #tpu.memory_space<hbm>>, %arg3: memref<2x16x125x80xi32, #tpu.memory_space<hbm>>, %arg4: memref<2x16x125x80xi32, #tpu.memory_space<hbm>>, %arg5: memref<2x10240x128xf32, #tpu.memory_space<hbm>>, %arg6: memref<125x80xi32, #tpu.memory_space<vmem>>, %arg7: memref<125x80xi32, #tpu.memory_space<vmem>>, %arg8: memref<80x128xf32, #tpu.memory_space<vmem>>, %arg9: memref<10240x128xf32, #tpu.memory_space<vmem_shared>>, %arg10: memref<!tpu.dma_semaphore, #tpu.memory_space<semaphore_mem>>) attributes {dimension_semantics = [#tpu.dimension_semantics<core_parallel>, #tpu.dimension_semantics<subcore_parallel>], iteration_bounds = array<i64: 2, 16>, scalar_prefetch = 0 : i64, scratch_operands = 5 : i64, tpu.core_type = #tpu.core_type<sc_vector_subcore>, window_params = [{transform_indices = #map}, {transform_indices = #map1}, {transform_indices = #map1}, {transform_indices = #map2}]} {
    %mul3A = arith.constant 640 : i32
    %mul3A_0 = arith.muli %arg1, %mul3A : i32
    %scan3A = arith.constant 0 : i32
    %scan3A_1 = arith.constant 0 : i32
    %scan3A_2 = arith.constant 640 : i32
    %scan3A_3 = arith.addi %scan3A_1, %scan3A_2 : i32
    %scan3A_4 = arith.constant 1 : i32
    scf.for %scan3A_28 = %scan3A_1 to %scan3A_3 step %scan3A_4  : i32 {
      %broadcast_in_dim3A = arith.constant 0.000000e+00 : f32
      %broadcast_in_dim3A_29 = vector.broadcast %broadcast_in_dim3A : f32 to vector<16xf32>
      %jit3A = arith.constant 8 : i32
      %div3A = arith.divsi %scan3A_28, %jit3A : i32
      %sign3A = arith.constant 0 : i32
      %sign3A_30 = arith.cmpi sgt, %scan3A_28, %sign3A : i32
      %sign3A_31 = arith.extui %sign3A_30 : i1 to i32
      %sign3A_32 = arith.constant 0 : i32
      %sign3A_33 = arith.cmpi slt, %scan3A_28, %sign3A_32 : i32
      %sign3A_34 = arith.extui %sign3A_33 : i1 to i32
      %sign3A_35 = arith.subi %sign3A_31, %sign3A_34 : i32
      %sign3A_36 = arith.constant 0 : i32
      %sign3A_37 = arith.cmpi sgt, %jit3A, %sign3A_36 : i32
      %sign3A_38 = arith.extui %sign3A_37 : i1 to i32
      %sign3A_39 = arith.constant 0 : i32
      %sign3A_40 = arith.cmpi slt, %jit3A, %sign3A_39 : i32
      %sign3A_41 = arith.extui %sign3A_40 : i1 to i32
      %sign3A_42 = arith.subi %sign3A_38, %sign3A_41 : i32
      %ne3A = arith.cmpi ne, %sign3A_35, %sign3A_42 : i32
      %rem3A = arith.remsi %scan3A_28, %jit3A : i32
      %ne3A_43 = arith.constant 0 : i32
      %ne3A_44 = arith.cmpi ne, %rem3A, %ne3A_43 : i32
      %and3A = arith.andi %ne3A, %ne3A_44 : i1
      %sub3A = arith.constant 1 : i32
      %sub3A_45 = arith.subi %div3A, %sub3A : i32
      %select_n3A = arith.select %and3A, %sub3A_45, %div3A : i32
      %jit3A_46 = arith.constant 8 : i32
      %eq3A = arith.constant 0 : i32
      %eq3A_47 = arith.cmpi eq, %jit3A_46, %eq3A : i32
      %jit3A_48 = arith.constant 1 : i32
      %select_n3A_49 = arith.select %eq3A_47, %jit3A_48, %jit3A_46 : i32
      %rem3A_50 = arith.remsi %scan3A_28, %select_n3A_49 : i32
      %ne3A_51 = arith.constant 0 : i32
      %ne3A_52 = arith.cmpi ne, %rem3A_50, %ne3A_51 : i32
      %lt3A = arith.constant 0 : i32
      %lt3A_53 = arith.cmpi slt, %rem3A_50, %lt3A : i32
      %lt3A_54 = arith.constant 0 : i32
      %lt3A_55 = arith.cmpi slt, %select_n3A_49, %lt3A_54 : i32
      %ne3A_56 = arith.xori %lt3A_53, %lt3A_55 : i1
      %and3A_57 = arith.andi %ne3A_56, %ne3A_52 : i1
      %add3A_58 = arith.addi %rem3A_50, %select_n3A_49 : i32
      %select_n3A_59 = arith.select %and3A_57, %add3A_58, %rem3A_50 : i32
      %mul3A_60 = arith.constant 16 : i32
      %mul3A_61 = arith.muli %select_n3A_59, %mul3A_60 : i32
      %swap3A = arith.index_cast %select_n3A : i32 to index
      %swap3A_62 = arith.index_cast %mul3A_61 : i32 to index
      %swap3A_63 = tpu.vector_load %arg8[%swap3A, %swap3A_62] {strides = array<i32>} : memref<80x128xf32, #tpu.memory_space<vmem>>, vector<1x16xf32>,
      %swap3A_64 = vector.shape_cast %swap3A_63 : vector<1x16xf32> to vector<16xf32>
      %swap3A_65 = vector.shape_cast %broadcast_in_dim3A_29 : vector<16xf32> to vector<1x16xf32>
      tpu.vector_store %arg8[%swap3A, %swap3A_62], %swap3A_65 {strides = array<i32>} : memref<80x128xf32, #tpu.memory_space<vmem>>, vector<1x16xf32>,
    }
    %scan3A_5 = arith.constant 640 : i32
    %add3A = arith.constant 0 : i32
    %add3A_6 = arith.addi %mul3A_0, %add3A : i32
    "tpu.region"() ({
      %run_scoped3A = tpu.sem_alloc : memref<!tpu.dma_semaphore, #tpu.memory_space<semaphore_mem>>
      %dma_start3A = arith.constant 0 : i32
      %dma_start3A_28 = tpu.memref_slice %arg9[%add3A_6, %dma_start3A] : memref<10240x128xf32, #tpu.memory_space<vmem_shared>> -> memref<80x128xf32, #tpu.memory_space<vmem_shared>>
      %dma_start3A_29 = arith.constant 0 : i32
      %dma_start3A_30 = tpu.memref_slice %arg9[%add3A_6, %dma_start3A_29] : memref<10240x128xf32, #tpu.memory_space<vmem_shared>> -> memref<80x128xf32, #tpu.memory_space<vmem_shared>>
      tpu.enqueue_dma source(%arg8 : memref<80x128xf32, #tpu.memory_space<vmem>>) target(%dma_start3A_30 : memref<80x128xf32, #tpu.memory_space<vmem_shared>>) target_semaphore(%run_scoped3A : memref<!tpu.dma_semaphore, #tpu.memory_space<semaphore_mem>>)
      %dma_wait3A = arith.constant 0 : i32
      %dma_wait3A_31 = tpu.memref_slice %arg9[%add3A_6, %dma_wait3A] : memref<10240x128xf32, #tpu.memory_space<vmem_shared>> -> memref<80x128xf32, #tpu.memory_space<vmem_shared>>
      %dma_wait3A_32 = arith.constant 0 : i32
      %dma_wait3A_33 = tpu.memref_slice %arg9[%add3A_6, %dma_wait3A_32] : memref<10240x128xf32, #tpu.memory_space<vmem_shared>> -> memref<80x128xf32, #tpu.memory_space<vmem_shared>>
      tpu.wait_dma2 semaphore(%run_scoped3A : memref<!tpu.dma_semaphore, #tpu.memory_space<semaphore_mem>>) src(%arg8 : memref<80x128xf32, #tpu.memory_space<vmem>>) dst(%dma_wait3A_33 : memref<80x128xf32, #tpu.memory_space<vmem_shared>>)
      tpu.yield
    }) : () -> ()
    %add3A_7 = arith.constant 80 : i32
    %add3A_8 = arith.addi %mul3A_0, %add3A_7 : i32
    "tpu.region"() ({
      %run_scoped3A = tpu.sem_alloc : memref<!tpu.dma_semaphore, #tpu.memory_space<semaphore_mem>>
      %dma_start3A = arith.constant 0 : i32
      %dma_start3A_28 = tpu.memref_slice %arg9[%add3A_8, %dma_start3A] : memref<10240x128xf32, #tpu.memory_space<vmem_shared>> -> memref<80x128xf32, #tpu.memory_space<vmem_shared>>
      %dma_start3A_29 = arith.constant 0 : i32
      %dma_start3A_30 = tpu.memref_slice %arg9[%add3A_8, %dma_start3A_29] : memref<10240x128xf32, #tpu.memory_space<vmem_shared>> -> memref<80x128xf32, #tpu.memory_space<vmem_shared>>
      tpu.enqueue_dma source(%arg8 : memref<80x128xf32, #tpu.memory_space<vmem>>) target(%dma_start3A_30 : memref<80x128xf32, #tpu.memory_space<vmem_shared>>) target_semaphore(%run_scoped3A : memref<!tpu.dma_semaphore, #tpu.memory_space<semaphore_mem>>)
      %dma_wait3A = arith.constant 0 : i32
      %dma_wait3A_31 = tpu.memref_slice %arg9[%add3A_8, %dma_wait3A] : memref<10240x128xf32, #tpu.memory_space<vmem_shared>> -> memref<80x128xf32, #tpu.memory_space<vmem_shared>>
      %dma_wait3A_32 = arith.constant 0 : i32
      %dma_wait3A_33 = tpu.memref_slice %arg9[%add3A_8, %dma_wait3A_32] : memref<10240x128xf32, #tpu.memory_space<vmem_shared>> -> memref<80x128xf32, #tpu.memory_space<vmem_shared>>
      tpu.wait_dma2 semaphore(%run_scoped3A : memref<!tpu.dma_semaphore, #tpu.memory_space<semaphore_mem>>) src(%arg8 : memref<80x128xf32, #tpu.memory_space<vmem>>) dst(%dma_wait3A_33 : memref<80x128xf32, #tpu.memory_space<vmem_shared>>)
      tpu.yield
    }) : () -> ()
    %add3A_9 = arith.constant 160 : i32
    %add3A_10 = arith.addi %mul3A_0, %add3A_9 : i32
    "tpu.region"() ({
      %run_scoped3A = tpu.sem_alloc : memref<!tpu.dma_semaphore, #tpu.memory_space<semaphore_mem>>
      %dma_start3A = arith.constant 0 : i32
      %dma_start3A_28 = tpu.memref_slice %arg9[%add3A_10, %dma_start3A] : memref<10240x128xf32, #tpu.memory_space<vmem_shared>> -> memref<80x128xf32, #tpu.memory_space<vmem_shared>>
      %dma_start3A_29 = arith.constant 0 : i32
      %dma_start3A_30 = tpu.memref_slice %arg9[%add3A_10, %dma_start3A_29] : memref<10240x128xf32, #tpu.memory_space<vmem_shared>> -> memref<80x128xf32, #tpu.memory_space<vmem_shared>>
      tpu.enqueue_dma source(%arg8 : memref<80x128xf32, #tpu.memory_space<vmem>>) target(%dma_start3A_30 : memref<80x128xf32, #tpu.memory_space<vmem_shared>>) target_semaphore(%run_scoped3A : memref<!tpu.dma_semaphore, #tpu.memory_space<semaphore_mem>>)
      %dma_wait3A = arith.constant 0 : i32
      %dma_wait3A_31 = tpu.memref_slice %arg9[%add3A_10, %dma_wait3A] : memref<10240x128xf32, #tpu.memory_space<vmem_shared>> -> memref<80x128xf32, #tpu.memory_space<vmem_shared>>
      %dma_wait3A_32 = arith.constant 0 : i32
      %dma_wait3A_33 = tpu.memref_slice %arg9[%add3A_10, %dma_wait3A_32] : memref<10240x128xf32, #tpu.memory_space<vmem_shared>> -> memref<80x128xf32, #tpu.memory_space<vmem_shared>>
      tpu.wait_dma2 semaphore(%run_scoped3A : memref<!tpu.dma_semaphore, #tpu.memory_space<semaphore_mem>>) src(%arg8 : memref<80x128xf32, #tpu.memory_space<vmem>>) dst(%dma_wait3A_33 : memref<80x128xf32, #tpu.memory_space<vmem_shared>>)
      tpu.yield
    }) : () -> ()
    %add3A_11 = arith.constant 240 : i32
    %add3A_12 = arith.addi %mul3A_0, %add3A_11 : i32
    "tpu.region"() ({
      %run_scoped3A = tpu.sem_alloc : memref<!tpu.dma_semaphore, #tpu.memory_space<semaphore_mem>>
      %dma_start3A = arith.constant 0 : i32
      %dma_start3A_28 = tpu.memref_slice %arg9[%add3A_12, %dma_start3A] : memref<10240x128xf32, #tpu.memory_space<vmem_shared>> -> memref<80x128xf32, #tpu.memory_space<vmem_shared>>
      %dma_start3A_29 = arith.constant 0 : i32
      %dma_start3A_30 = tpu.memref_slice %arg9[%add3A_12, %dma_start3A_29] : memref<10240x128xf32, #tpu.memory_space<vmem_shared>> -> memref<80x128xf32, #tpu.memory_space<vmem_shared>>
      tpu.enqueue_dma source(%arg8 : memref<80x128xf32, #tpu.memory_space<vmem>>) target(%dma_start3A_30 : memref<80x128xf32, #tpu.memory_space<vmem_shared>>) target_semaphore(%run_scoped3A : memref<!tpu.dma_semaphore, #tpu.memory_space<semaphore_mem>>)
      %dma_wait3A = arith.constant 0 : i32
      %dma_wait3A_31 = tpu.memref_slice %arg9[%add3A_12, %dma_wait3A] : memref<10240x128xf32, #tpu.memory_space<vmem_shared>> -> memref<80x128xf32, #tpu.memory_space<vmem_shared>>
      %dma_wait3A_32 = arith.constant 0 : i32
      %dma_wait3A_33 = tpu.memref_slice %arg9[%add3A_12, %dma_wait3A_32] : memref<10240x128xf32, #tpu.memory_space<vmem_shared>> -> memref<80x128xf32, #tpu.memory_space<vmem_shared>>
      tpu.wait_dma2 semaphore(%run_scoped3A : memref<!tpu.dma_semaphore, #tpu.memory_space<semaphore_mem>>) src(%arg8 : memref<80x128xf32, #tpu.memory_space<vmem>>) dst(%dma_wait3A_33 : memref<80x128xf32, #tpu.memory_space<vmem_shared>>)
      tpu.yield
    }) : () -> ()
    %add3A_13 = arith.constant 320 : i32
    %add3A_14 = arith.addi %mul3A_0, %add3A_13 : i32
    "tpu.region"() ({
      %run_scoped3A = tpu.sem_alloc : memref<!tpu.dma_semaphore, #tpu.memory_space<semaphore_mem>>
      %dma_start3A = arith.constant 0 : i32
      %dma_start3A_28 = tpu.memref_slice %arg9[%add3A_14, %dma_start3A] : memref<10240x128xf32, #tpu.memory_space<vmem_shared>> -> memref<80x128xf32, #tpu.memory_space<vmem_shared>>
      %dma_start3A_29 = arith.constant 0 : i32
      %dma_start3A_30 = tpu.memref_slice %arg9[%add3A_14, %dma_start3A_29] : memref<10240x128xf32, #tpu.memory_space<vmem_shared>> -> memref<80x128xf32, #tpu.memory_space<vmem_shared>>
      tpu.enqueue_dma source(%arg8 : memref<80x128xf32, #tpu.memory_space<vmem>>) target(%dma_start3A_30 : memref<80x128xf32, #tpu.memory_space<vmem_shared>>) target_semaphore(%run_scoped3A : memref<!tpu.dma_semaphore, #tpu.memory_space<semaphore_mem>>)
      %dma_wait3A = arith.constant 0 : i32
      %dma_wait3A_31 = tpu.memref_slice %arg9[%add3A_14, %dma_wait3A] : memref<10240x128xf32, #tpu.memory_space<vmem_shared>> -> memref<80x128xf32, #tpu.memory_space<vmem_shared>>
      %dma_wait3A_32 = arith.constant 0 : i32
      %dma_wait3A_33 = tpu.memref_slice %arg9[%add3A_14, %dma_wait3A_32] : memref<10240x128xf32, #tpu.memory_space<vmem_shared>> -> memref<80x128xf32, #tpu.memory_space<vmem_shared>>
      tpu.wait_dma2 semaphore(%run_scoped3A : memref<!tpu.dma_semaphore, #tpu.memory_space<semaphore_mem>>) src(%arg8 : memref<80x128xf32, #tpu.memory_space<vmem>>) dst(%dma_wait3A_33 : memref<80x128xf32, #tpu.memory_space<vmem_shared>>)
      tpu.yield
    }) : () -> ()
    %add3A_15 = arith.constant 400 : i32
    %add3A_16 = arith.addi %mul3A_0, %add3A_15 : i32
    "tpu.region"() ({
      %run_scoped3A = tpu.sem_alloc : memref<!tpu.dma_semaphore, #tpu.memory_space<semaphore_mem>>
      %dma_start3A = arith.constant 0 : i32
      %dma_start3A_28 = tpu.memref_slice %arg9[%add3A_16, %dma_start3A] : memref<10240x128xf32, #tpu.memory_space<vmem_shared>> -> memref<80x128xf32, #tpu.memory_space<vmem_shared>>
      %dma_start3A_29 = arith.constant 0 : i32
      %dma_start3A_30 = tpu.memref_slice %arg9[%add3A_16, %dma_start3A_29] : memref<10240x128xf32, #tpu.memory_space<vmem_shared>> -> memref<80x128xf32, #tpu.memory_space<vmem_shared>>
      tpu.enqueue_dma source(%arg8 : memref<80x128xf32, #tpu.memory_space<vmem>>) target(%dma_start3A_30 : memref<80x128xf32, #tpu.memory_space<vmem_shared>>) target_semaphore(%run_scoped3A : memref<!tpu.dma_semaphore, #tpu.memory_space<semaphore_mem>>)
      %dma_wait3A = arith.constant 0 : i32
      %dma_wait3A_31 = tpu.memref_slice %arg9[%add3A_16, %dma_wait3A] : memref<10240x128xf32, #tpu.memory_space<vmem_shared>> -> memref<80x128xf32, #tpu.memory_space<vmem_shared>>
      %dma_wait3A_32 = arith.constant 0 : i32
      %dma_wait3A_33 = tpu.memref_slice %arg9[%add3A_16, %dma_wait3A_32] : memref<10240x128xf32, #tpu.memory_space<vmem_shared>> -> memref<80x128xf32, #tpu.memory_space<vmem_shared>>
      tpu.wait_dma2 semaphore(%run_scoped3A : memref<!tpu.dma_semaphore, #tpu.memory_space<semaphore_mem>>) src(%arg8 : memref<80x128xf32, #tpu.memory_space<vmem>>) dst(%dma_wait3A_33 : memref<80x128xf32, #tpu.memory_space<vmem_shared>>)
      tpu.yield
    }) : () -> ()
    %add3A_17 = arith.constant 480 : i32
    %add3A_18 = arith.addi %mul3A_0, %add3A_17 : i32
    "tpu.region"() ({
      %run_scoped3A = tpu.sem_alloc : memref<!tpu.dma_semaphore, #tpu.memory_space<semaphore_mem>>
      %dma_start3A = arith.constant 0 : i32
      %dma_start3A_28 = tpu.memref_slice %arg9[%add3A_18, %dma_start3A] : memref<10240x128xf32, #tpu.memory_space<vmem_shared>> -> memref<80x128xf32, #tpu.memory_space<vmem_shared>>
      %dma_start3A_29 = arith.constant 0 : i32
      %dma_start3A_30 = tpu.memref_slice %arg9[%add3A_18, %dma_start3A_29] : memref<10240x128xf32, #tpu.memory_space<vmem_shared>> -> memref<80x128xf32, #tpu.memory_space<vmem_shared>>
      tpu.enqueue_dma source(%arg8 : memref<80x128xf32, #tpu.memory_space<vmem>>) target(%dma_start3A_30 : memref<80x128xf32, #tpu.memory_space<vmem_shared>>) target_semaphore(%run_scoped3A : memref<!tpu.dma_semaphore, #tpu.memory_space<semaphore_mem>>)
      %dma_wait3A = arith.constant 0 : i32
      %dma_wait3A_31 = tpu.memref_slice %arg9[%add3A_18, %dma_wait3A] : memref<10240x128xf32, #tpu.memory_space<vmem_shared>> -> memref<80x128xf32, #tpu.memory_space<vmem_shared>>
      %dma_wait3A_32 = arith.constant 0 : i32
      %dma_wait3A_33 = tpu.memref_slice %arg9[%add3A_18, %dma_wait3A_32] : memref<10240x128xf32, #tpu.memory_space<vmem_shared>> -> memref<80x128xf32, #tpu.memory_space<vmem_shared>>
      tpu.wait_dma2 semaphore(%run_scoped3A : memref<!tpu.dma_semaphore, #tpu.memory_space<semaphore_mem>>) src(%arg8 : memref<80x128xf32, #tpu.memory_space<vmem>>) dst(%dma_wait3A_33 : memref<80x128xf32, #tpu.memory_space<vmem_shared>>)
      tpu.yield
    }) : () -> ()
    %add3A_19 = arith.constant 560 : i32
    %add3A_20 = arith.addi %mul3A_0, %add3A_19 : i32
    "tpu.region"() ({
      %run_scoped3A = tpu.sem_alloc : memref<!tpu.dma_semaphore, #tpu.memory_space<semaphore_mem>>
      %dma_start3A = arith.constant 0 : i32
      %dma_start3A_28 = tpu.memref_slice %arg9[%add3A_20, %dma_start3A] : memref<10240x128xf32, #tpu.memory_space<vmem_shared>> -> memref<80x128xf32, #tpu.memory_space<vmem_shared>>
      %dma_start3A_29 = arith.constant 0 : i32
      %dma_start3A_30 = tpu.memref_slice %arg9[%add3A_20, %dma_start3A_29] : memref<10240x128xf32, #tpu.memory_space<vmem_shared>> -> memref<80x128xf32, #tpu.memory_space<vmem_shared>>
      tpu.enqueue_dma source(%arg8 : memref<80x128xf32, #tpu.memory_space<vmem>>) target(%dma_start3A_30 : memref<80x128xf32, #tpu.memory_space<vmem_shared>>) target_semaphore(%run_scoped3A : memref<!tpu.dma_semaphore, #tpu.memory_space<semaphore_mem>>)
      %dma_wait3A = arith.constant 0 : i32
      %dma_wait3A_31 = tpu.memref_slice %arg9[%add3A_20, %dma_wait3A] : memref<10240x128xf32, #tpu.memory_space<vmem_shared>> -> memref<80x128xf32, #tpu.memory_space<vmem_shared>>
      %dma_wait3A_32 = arith.constant 0 : i32
      %dma_wait3A_33 = tpu.memref_slice %arg9[%add3A_20, %dma_wait3A_32] : memref<10240x128xf32, #tpu.memory_space<vmem_shared>> -> memref<80x128xf32, #tpu.memory_space<vmem_shared>>
      tpu.wait_dma2 semaphore(%run_scoped3A : memref<!tpu.dma_semaphore, #tpu.memory_space<semaphore_mem>>) src(%arg8 : memref<80x128xf32, #tpu.memory_space<vmem>>) dst(%dma_wait3A_33 : memref<80x128xf32, #tpu.memory_space<vmem_shared>>)
      tpu.yield
    }) : () -> ()
    "tpu.region"() ({
      %run_scoped3A = tpu.sem_alloc : memref<!tpu.dma_semaphore, #tpu.memory_space<semaphore_mem>>
      %dma_start3A = arith.constant 0 : i32
      %dma_start3A_28 = arith.constant 0 : i32
      %dma_start3A_29 = tpu.memref_slice %arg3[%arg0, %arg1, %dma_start3A, %dma_start3A_28] : memref<2x16x125x80xi32, #tpu.memory_space<hbm>> -> memref<1x1x125x80xi32, #tpu.memory_space<hbm>>
      %dma_start3A_30 = tpu.memref_squeeze %dma_start3A_29 : memref<1x1x125x80xi32, #tpu.memory_space<hbm>> -> memref<125x80xi32, #tpu.memory_space<hbm>>
      %dma_start3A_31 = arith.constant 0 : i32
      %dma_start3A_32 = arith.constant 0 : i32
      %dma_start3A_33 = tpu.memref_slice %arg3[%arg0, %arg1, %dma_start3A_31, %dma_start3A_32] : memref<2x16x125x80xi32, #tpu.memory_space<hbm>> -> memref<1x1x125x80xi32, #tpu.memory_space<hbm>>
      %dma_start3A_34 = tpu.memref_squeeze %dma_start3A_33 : memref<1x1x125x80xi32, #tpu.memory_space<hbm>> -> memref<125x80xi32, #tpu.memory_space<hbm>>
      tpu.enqueue_dma source(%dma_start3A_34 : memref<125x80xi32, #tpu.memory_space<hbm>>) target(%arg6 : memref<125x80xi32, #tpu.memory_space<vmem>>) target_semaphore(%run_scoped3A : memref<!tpu.dma_semaphore, #tpu.memory_space<semaphore_mem>>)
      %dma_wait3A = arith.constant 0 : i32
      %dma_wait3A_35 = arith.constant 0 : i32
      %dma_wait3A_36 = tpu.memref_slice %arg3[%arg0, %arg1, %dma_wait3A, %dma_wait3A_35] : memref<2x16x125x80xi32, #tpu.memory_space<hbm>> -> memref<1x1x125x80xi32, #tpu.memory_space<hbm>>
      %dma_wait3A_37 = tpu.memref_squeeze %dma_wait3A_36 : memref<1x1x125x80xi32, #tpu.memory_space<hbm>> -> memref<125x80xi32, #tpu.memory_space<hbm>>
      %dma_wait3A_38 = arith.constant 0 : i32
      %dma_wait3A_39 = arith.constant 0 : i32
      %dma_wait3A_40 = tpu.memref_slice %arg3[%arg0, %arg1, %dma_wait3A_38, %dma_wait3A_39] : memref<2x16x125x80xi32, #tpu.memory_space<hbm>> -> memref<1x1x125x80xi32, #tpu.memory_space<hbm>>
      %dma_wait3A_41 = tpu.memref_squeeze %dma_wait3A_40 : memref<1x1x125x80xi32, #tpu.memory_space<hbm>> -> memref<125x80xi32, #tpu.memory_space<hbm>>
      tpu.wait_dma2 semaphore(%run_scoped3A : memref<!tpu.dma_semaphore, #tpu.memory_space<semaphore_mem>>) src(%dma_wait3A_41 : memref<125x80xi32, #tpu.memory_space<hbm>>) dst(%arg6 : memref<125x80xi32, #tpu.memory_space<vmem>>)
      tpu.yield
    }) : () -> ()
    "tpu.region"() ({
      %run_scoped3A = tpu.sem_alloc : memref<!tpu.dma_semaphore, #tpu.memory_space<semaphore_mem>>
      %dma_start3A = arith.constant 0 : i32
      %dma_start3A_28 = arith.constant 0 : i32
      %dma_start3A_29 = tpu.memref_slice %arg4[%arg0, %arg1, %dma_start3A, %dma_start3A_28] : memref<2x16x125x80xi32, #tpu.memory_space<hbm>> -> memref<1x1x125x80xi32, #tpu.memory_space<hbm>>
      %dma_start3A_30 = tpu.memref_squeeze %dma_start3A_29 : memref<1x1x125x80xi32, #tpu.memory_space<hbm>> -> memref<125x80xi32, #tpu.memory_space<hbm>>
      %dma_start3A_31 = arith.constant 0 : i32
      %dma_start3A_32 = arith.constant 0 : i32
      %dma_start3A_33 = tpu.memref_slice %arg4[%arg0, %arg1, %dma_start3A_31, %dma_start3A_32] : memref<2x16x125x80xi32, #tpu.memory_space<hbm>> -> memref<1x1x125x80xi32, #tpu.memory_space<hbm>>
      %dma_start3A_34 = tpu.memref_squeeze %dma_start3A_33 : memref<1x1x125x80xi32, #tpu.memory_space<hbm>> -> memref<125x80xi32, #tpu.memory_space<hbm>>
      tpu.enqueue_dma source(%dma_start3A_34 : memref<125x80xi32, #tpu.memory_space<hbm>>) target(%arg7 : memref<125x80xi32, #tpu.memory_space<vmem>>) target_semaphore(%run_scoped3A : memref<!tpu.dma_semaphore, #tpu.memory_space<semaphore_mem>>)
      %dma_wait3A = arith.constant 0 : i32
      %dma_wait3A_35 = arith.constant 0 : i32
      %dma_wait3A_36 = tpu.memref_slice %arg4[%arg0, %arg1, %dma_wait3A, %dma_wait3A_35] : memref<2x16x125x80xi32, #tpu.memory_space<hbm>> -> memref<1x1x125x80xi32, #tpu.memory_space<hbm>>
      %dma_wait3A_37 = tpu.memref_squeeze %dma_wait3A_36 : memref<1x1x125x80xi32, #tpu.memory_space<hbm>> -> memref<125x80xi32, #tpu.memory_space<hbm>>
      %dma_wait3A_38 = arith.constant 0 : i32
      %dma_wait3A_39 = arith.constant 0 : i32
      %dma_wait3A_40 = tpu.memref_slice %arg4[%arg0, %arg1, %dma_wait3A_38, %dma_wait3A_39] : memref<2x16x125x80xi32, #tpu.memory_space<hbm>> -> memref<1x1x125x80xi32, #tpu.memory_space<hbm>>
      %dma_wait3A_41 = tpu.memref_squeeze %dma_wait3A_40 : memref<1x1x125x80xi32, #tpu.memory_space<hbm>> -> memref<125x80xi32, #tpu.memory_space<hbm>>
      tpu.wait_dma2 semaphore(%run_scoped3A : memref<!tpu.dma_semaphore, #tpu.memory_space<semaphore_mem>>) src(%dma_wait3A_41 : memref<125x80xi32, #tpu.memory_space<hbm>>) dst(%arg7 : memref<125x80xi32, #tpu.memory_space<vmem>>)
      tpu.yield
    }) : () -> ()
    %barrier3A = arith.constant 0 : index
    tpu.barrier barrier_id(%barrier3A)
    %scan3A_21 = arith.constant 0 : i32
    %scan3A_22 = arith.constant 0 : i32
    %scan3A_23 = arith.constant 125 : i32
    %scan3A_24 = arith.addi %scan3A_22, %scan3A_23 : i32
    %scan3A_25 = arith.constant 1 : i32
    scf.for %scan3A_28 = %scan3A_22 to %scan3A_24 step %scan3A_25  : i32 {
      %dma_start3A = arith.constant 0 : i32
      %dma_start3A_29 = tpu.memref_slice %arg6[%scan3A_28, %dma_start3A] : memref<125x80xi32, #tpu.memory_space<vmem>> -> memref<1x80xi32, #tpu.memory_space<vmem>>
      %dma_start3A_30 = tpu.memref_squeeze %dma_start3A_29 : memref<1x80xi32, #tpu.memory_space<vmem>> -> memref<80xi32, #tpu.memory_space<vmem>>
      %dma_start3A_31 = arith.constant 0 : i32
      %dma_start3A_32 = arith.constant 0 : i32
      %dma_start3A_33 = tpu.memref_slice %arg2[%dma_start3A_31, %dma_start3A_32] : memref<10000x128xf32, #tpu.memory_space<hbm>> -> memref<10000x128xf32, #tpu.memory_space<hbm>>
      tpu.enqueue_indirect_dma source(%dma_start3A_33 : memref<10000x128xf32, #tpu.memory_space<hbm>>) target(%arg8 : memref<80x128xf32, #tpu.memory_space<vmem>>) offsets(%dma_start3A_30 : memref<80xi32, #tpu.memory_space<vmem>>) semaphore(%arg10 : memref<!tpu.dma_semaphore, #tpu.memory_space<semaphore_mem>>)
      %dma_wait3A = arith.constant 0 : i32
      %dma_wait3A_34 = tpu.memref_slice %arg6[%scan3A_28, %dma_wait3A] : memref<125x80xi32, #tpu.memory_space<vmem>> -> memref<1x80xi32, #tpu.memory_space<vmem>>
      %dma_wait3A_35 = tpu.memref_squeeze %dma_wait3A_34 : memref<1x80xi32, #tpu.memory_space<vmem>> -> memref<80xi32, #tpu.memory_space<vmem>>
      %dma_wait3A_36 = arith.constant 0 : i32
      %dma_wait3A_37 = arith.constant 0 : i32
      %dma_wait3A_38 = tpu.memref_slice %arg2[%dma_wait3A_36, %dma_wait3A_37] : memref<10000x128xf32, #tpu.memory_space<hbm>> -> memref<10000x128xf32, #tpu.memory_space<hbm>>
      tpu.wait_indirect_dma semaphore(%arg10 : memref<!tpu.dma_semaphore, #tpu.memory_space<semaphore_mem>>) src(%dma_wait3A_38 : memref<10000x128xf32, #tpu.memory_space<hbm>>) dst(%arg8 : memref<80x128xf32, #tpu.memory_space<vmem>>)
      "tpu.region"() ({
        %run_scoped3A = tpu.sem_alloc : memref<!tpu.dma_semaphore, #tpu.memory_space<semaphore_mem>>
        %dma_start3A_39 = arith.constant 0 : i32
        %dma_start3A_40 = tpu.memref_slice %arg7[%scan3A_28, %dma_start3A_39] : memref<125x80xi32, #tpu.memory_space<vmem>> -> memref<1x80xi32, #tpu.memory_space<vmem>>
        %dma_start3A_41 = tpu.memref_squeeze %dma_start3A_40 : memref<1x80xi32, #tpu.memory_space<vmem>> -> memref<80xi32, #tpu.memory_space<vmem>>
        %dma_start3A_42 = arith.constant 0 : i32
        %dma_start3A_43 = arith.constant 0 : i32
        %dma_start3A_44 = tpu.memref_slice %arg9[%dma_start3A_42, %dma_start3A_43] : memref<10240x128xf32, #tpu.memory_space<vmem_shared>> -> memref<10240x128xf32, #tpu.memory_space<vmem_shared>>
        tpu.enqueue_indirect_dma source(%arg8 : memref<80x128xf32, #tpu.memory_space<vmem>>) target(%dma_start3A_44 : memref<10240x128xf32, #tpu.memory_space<vmem_shared>>) offsets(%dma_start3A_41 : memref<80xi32, #tpu.memory_space<vmem>>) semaphore(%run_scoped3A : memref<!tpu.dma_semaphore, #tpu.memory_space<semaphore_mem>>) {add = true}
        %dma_wait3A_45 = arith.constant 0 : i32
        %dma_wait3A_46 = tpu.memref_slice %arg7[%scan3A_28, %dma_wait3A_45] : memref<125x80xi32, #tpu.memory_space<vmem>> -> memref<1x80xi32, #tpu.memory_space<vmem>>
        %dma_wait3A_47 = tpu.memref_squeeze %dma_wait3A_46 : memref<1x80xi32, #tpu.memory_space<vmem>> -> memref<80xi32, #tpu.memory_space<vmem>>
        %dma_wait3A_48 = arith.constant 0 : i32
        %dma_wait3A_49 = arith.constant 0 : i32
        %dma_wait3A_50 = tpu.memref_slice %arg9[%dma_wait3A_48, %dma_wait3A_49] : memref<10240x128xf32, #tpu.memory_space<vmem_shared>> -> memref<10240x128xf32, #tpu.memory_space<vmem_shared>>
        tpu.wait_indirect_dma semaphore(%run_scoped3A : memref<!tpu.dma_semaphore, #tpu.memory_space<semaphore_mem>>) src(%arg8 : memref<80x128xf32, #tpu.memory_space<vmem>>) dst(%dma_wait3A_50 : memref<10240x128xf32, #tpu.memory_space<vmem_shared>>)
        tpu.yield
      }) : () -> ()
    }
    %scan3A_26 = arith.constant 125 : i32
    %barrier3A_27 = arith.constant 0 : index
    tpu.barrier barrier_id(%barrier3A_27)
    "tpu.region"() ({
      %run_scoped3A = tpu.sem_alloc : memref<!tpu.dma_semaphore, #tpu.memory_space<semaphore_mem>>
      %dma_start3A = arith.constant 0 : i32
      %dma_start3A_28 = tpu.memref_slice %arg5[%arg0, %mul3A_0, %dma_start3A] : memref<2x10240x128xf32, #tpu.memory_space<hbm>> -> memref<1x640x128xf32, #tpu.memory_space<hbm>>
      %dma_start3A_29 = tpu.memref_squeeze %dma_start3A_28 : memref<1x640x128xf32, #tpu.memory_space<hbm>> -> memref<640x128xf32, #tpu.memory_space<hbm>>
      %dma_start3A_30 = arith.constant 0 : i32
      %dma_start3A_31 = tpu.memref_slice %arg9[%mul3A_0, %dma_start3A_30] : memref<10240x128xf32, #tpu.memory_space<vmem_shared>> -> memref<640x128xf32, #tpu.memory_space<vmem_shared>>
      tpu.enqueue_dma source(%dma_start3A_31 : memref<640x128xf32, #tpu.memory_space<vmem_shared>>) target(%dma_start3A_29 : memref<640x128xf32, #tpu.memory_space<hbm>>) target_semaphore(%run_scoped3A : memref<!tpu.dma_semaphore, #tpu.memory_space<semaphore_mem>>)
      %dma_wait3A = arith.constant 0 : i32
      %dma_wait3A_32 = tpu.memref_slice %arg5[%arg0, %mul3A_0, %dma_wait3A] : memref<2x10240x128xf32, #tpu.memory_space<hbm>> -> memref<1x640x128xf32, #tpu.memory_space<hbm>>
      %dma_wait3A_33 = tpu.memref_squeeze %dma_wait3A_32 : memref<1x640x128xf32, #tpu.memory_space<hbm>> -> memref<640x128xf32, #tpu.memory_space<hbm>>
      %dma_wait3A_34 = arith.constant 0 : i32
      %dma_wait3A_35 = tpu.memref_slice %arg9[%mul3A_0, %dma_wait3A_34] : memref<10240x128xf32, #tpu.memory_space<vmem_shared>> -> memref<640x128xf32, #tpu.memory_space<vmem_shared>>
      tpu.wait_dma2 semaphore(%run_scoped3A : memref<!tpu.dma_semaphore, #tpu.memory_space<semaphore_mem>>) src(%dma_wait3A_35 : memref<640x128xf32, #tpu.memory_space<vmem_shared>>) dst(%dma_wait3A_33 : memref<640x128xf32, #tpu.memory_space<hbm>>)
      tpu.yield
    }) : () -> ()
    return
  }
}

#map = affine_map<(d0, d1) -> (0, 0, 0, 0)>
#map1 = affine_map<(d0, d1) -> (0, 0, 0)>
module attributes {stable_mosaic.version = 14 : i64} {
  func.func @_sc_degree(%arg0: i32, %arg1: i32, %arg2: memref<2x16x125x80xi32, #tpu.memory_space<hbm>>, %arg3: memref<2x10240x16xf32, #tpu.memory_space<hbm>>, %arg4: memref<125x80xi32, #tpu.memory_space<vmem>>, %arg5: memref<80x16xf32, #tpu.memory_space<vmem>>, %arg6: memref<80x16xf32, #tpu.memory_space<vmem>>, %arg7: memref<10240x16xf32, #tpu.memory_space<vmem_shared>>) attributes {dimension_semantics = [#tpu.dimension_semantics<core_parallel>, #tpu.dimension_semantics<subcore_parallel>], iteration_bounds = array<i64: 2, 16>, scalar_prefetch = 0 : i64, scratch_operands = 4 : i64, tpu.core_type = #tpu.core_type<sc_vector_subcore>, window_params = [{transform_indices = #map}, {transform_indices = #map1}]} {
    %mul3A = arith.constant 640 : i32
    %mul3A_0 = arith.muli %arg1, %mul3A : i32
    %scan3A = arith.constant 0 : i32
    %scan3A_1 = arith.constant 0 : i32
    %scan3A_2 = arith.constant 80 : i32
    %scan3A_3 = arith.addi %scan3A_1, %scan3A_2 : i32
    %scan3A_4 = arith.constant 1 : i32
    scf.for %scan3A_34 = %scan3A_1 to %scan3A_3 step %scan3A_4  : i32 {
      %broadcast_in_dim3A = arith.constant 0.000000e+00 : f32
      %broadcast_in_dim3A_35 = vector.broadcast %broadcast_in_dim3A : f32 to vector<16xf32>
      %swap3A = arith.index_cast %scan3A_34 : i32 to index
      %swap3A_36 = arith.constant 0 : index
      %swap3A_37 = tpu.vector_load %arg6[%swap3A, %swap3A_36] {strides = array<i32>} : memref<80x16xf32, #tpu.memory_space<vmem>>, vector<1x16xf32>,
      %swap3A_38 = vector.shape_cast %swap3A_37 : vector<1x16xf32> to vector<16xf32>
      %swap3A_39 = vector.shape_cast %broadcast_in_dim3A_35 : vector<16xf32> to vector<1x16xf32>
      tpu.vector_store %arg6[%swap3A, %swap3A_36], %swap3A_39 {strides = array<i32>} : memref<80x16xf32, #tpu.memory_space<vmem>>, vector<1x16xf32>,
    }
    %scan3A_5 = arith.constant 80 : i32
    %scan3A_6 = arith.constant 0 : i32
    %scan3A_7 = arith.constant 0 : i32
    %scan3A_8 = arith.constant 80 : i32
    %scan3A_9 = arith.addi %scan3A_7, %scan3A_8 : i32
    %scan3A_10 = arith.constant 1 : i32
    scf.for %scan3A_34 = %scan3A_7 to %scan3A_9 step %scan3A_10  : i32 {
      %broadcast_in_dim3A = arith.constant 1.000000e+00 : f32
      %broadcast_in_dim3A_35 = vector.broadcast %broadcast_in_dim3A : f32 to vector<16xf32>
      %swap3A = arith.index_cast %scan3A_34 : i32 to index
      %swap3A_36 = arith.constant 0 : index
      %swap3A_37 = tpu.vector_load %arg5[%swap3A, %swap3A_36] {strides = array<i32>} : memref<80x16xf32, #tpu.memory_space<vmem>>, vector<1x16xf32>,
      %swap3A_38 = vector.shape_cast %swap3A_37 : vector<1x16xf32> to vector<16xf32>
      %swap3A_39 = vector.shape_cast %broadcast_in_dim3A_35 : vector<16xf32> to vector<1x16xf32>
      tpu.vector_store %arg5[%swap3A, %swap3A_36], %swap3A_39 {strides = array<i32>} : memref<80x16xf32, #tpu.memory_space<vmem>>, vector<1x16xf32>,
    }
    %scan3A_11 = arith.constant 80 : i32
    %add3A = arith.constant 0 : i32
    %add3A_12 = arith.addi %mul3A_0, %add3A : i32
    "tpu.region"() ({
      %run_scoped3A = tpu.sem_alloc : memref<!tpu.dma_semaphore, #tpu.memory_space<semaphore_mem>>
      %dma_start3A = arith.constant 0 : i32
      %dma_start3A_34 = tpu.memref_slice %arg7[%add3A_12, %dma_start3A] : memref<10240x16xf32, #tpu.memory_space<vmem_shared>> -> memref<80x16xf32, #tpu.memory_space<vmem_shared>>
      %dma_start3A_35 = arith.constant 0 : i32
      %dma_start3A_36 = tpu.memref_slice %arg7[%add3A_12, %dma_start3A_35] : memref<10240x16xf32, #tpu.memory_space<vmem_shared>> -> memref<80x16xf32, #tpu.memory_space<vmem_shared>>
      tpu.enqueue_dma source(%arg6 : memref<80x16xf32, #tpu.memory_space<vmem>>) target(%dma_start3A_36 : memref<80x16xf32, #tpu.memory_space<vmem_shared>>) target_semaphore(%run_scoped3A : memref<!tpu.dma_semaphore, #tpu.memory_space<semaphore_mem>>)
      %dma_wait3A = arith.constant 0 : i32
      %dma_wait3A_37 = tpu.memref_slice %arg7[%add3A_12, %dma_wait3A] : memref<10240x16xf32, #tpu.memory_space<vmem_shared>> -> memref<80x16xf32, #tpu.memory_space<vmem_shared>>
      %dma_wait3A_38 = arith.constant 0 : i32
      %dma_wait3A_39 = tpu.memref_slice %arg7[%add3A_12, %dma_wait3A_38] : memref<10240x16xf32, #tpu.memory_space<vmem_shared>> -> memref<80x16xf32, #tpu.memory_space<vmem_shared>>
      tpu.wait_dma2 semaphore(%run_scoped3A : memref<!tpu.dma_semaphore, #tpu.memory_space<semaphore_mem>>) src(%arg6 : memref<80x16xf32, #tpu.memory_space<vmem>>) dst(%dma_wait3A_39 : memref<80x16xf32, #tpu.memory_space<vmem_shared>>)
      tpu.yield
    }) : () -> ()
    %add3A_13 = arith.constant 80 : i32
    %add3A_14 = arith.addi %mul3A_0, %add3A_13 : i32
    "tpu.region"() ({
      %run_scoped3A = tpu.sem_alloc : memref<!tpu.dma_semaphore, #tpu.memory_space<semaphore_mem>>
      %dma_start3A = arith.constant 0 : i32
      %dma_start3A_34 = tpu.memref_slice %arg7[%add3A_14, %dma_start3A] : memref<10240x16xf32, #tpu.memory_space<vmem_shared>> -> memref<80x16xf32, #tpu.memory_space<vmem_shared>>
      %dma_start3A_35 = arith.constant 0 : i32
      %dma_start3A_36 = tpu.memref_slice %arg7[%add3A_14, %dma_start3A_35] : memref<10240x16xf32, #tpu.memory_space<vmem_shared>> -> memref<80x16xf32, #tpu.memory_space<vmem_shared>>
      tpu.enqueue_dma source(%arg6 : memref<80x16xf32, #tpu.memory_space<vmem>>) target(%dma_start3A_36 : memref<80x16xf32, #tpu.memory_space<vmem_shared>>) target_semaphore(%run_scoped3A : memref<!tpu.dma_semaphore, #tpu.memory_space<semaphore_mem>>)
      %dma_wait3A = arith.constant 0 : i32
      %dma_wait3A_37 = tpu.memref_slice %arg7[%add3A_14, %dma_wait3A] : memref<10240x16xf32, #tpu.memory_space<vmem_shared>> -> memref<80x16xf32, #tpu.memory_space<vmem_shared>>
      %dma_wait3A_38 = arith.constant 0 : i32
      %dma_wait3A_39 = tpu.memref_slice %arg7[%add3A_14, %dma_wait3A_38] : memref<10240x16xf32, #tpu.memory_space<vmem_shared>> -> memref<80x16xf32, #tpu.memory_space<vmem_shared>>
      tpu.wait_dma2 semaphore(%run_scoped3A : memref<!tpu.dma_semaphore, #tpu.memory_space<semaphore_mem>>) src(%arg6 : memref<80x16xf32, #tpu.memory_space<vmem>>) dst(%dma_wait3A_39 : memref<80x16xf32, #tpu.memory_space<vmem_shared>>)
      tpu.yield
    }) : () -> ()
    %add3A_15 = arith.constant 160 : i32
    %add3A_16 = arith.addi %mul3A_0, %add3A_15 : i32
    "tpu.region"() ({
      %run_scoped3A = tpu.sem_alloc : memref<!tpu.dma_semaphore, #tpu.memory_space<semaphore_mem>>
      %dma_start3A = arith.constant 0 : i32
      %dma_start3A_34 = tpu.memref_slice %arg7[%add3A_16, %dma_start3A] : memref<10240x16xf32, #tpu.memory_space<vmem_shared>> -> memref<80x16xf32, #tpu.memory_space<vmem_shared>>
      %dma_start3A_35 = arith.constant 0 : i32
      %dma_start3A_36 = tpu.memref_slice %arg7[%add3A_16, %dma_start3A_35] : memref<10240x16xf32, #tpu.memory_space<vmem_shared>> -> memref<80x16xf32, #tpu.memory_space<vmem_shared>>
      tpu.enqueue_dma source(%arg6 : memref<80x16xf32, #tpu.memory_space<vmem>>) target(%dma_start3A_36 : memref<80x16xf32, #tpu.memory_space<vmem_shared>>) target_semaphore(%run_scoped3A : memref<!tpu.dma_semaphore, #tpu.memory_space<semaphore_mem>>)
      %dma_wait3A = arith.constant 0 : i32
      %dma_wait3A_37 = tpu.memref_slice %arg7[%add3A_16, %dma_wait3A] : memref<10240x16xf32, #tpu.memory_space<vmem_shared>> -> memref<80x16xf32, #tpu.memory_space<vmem_shared>>
      %dma_wait3A_38 = arith.constant 0 : i32
      %dma_wait3A_39 = tpu.memref_slice %arg7[%add3A_16, %dma_wait3A_38] : memref<10240x16xf32, #tpu.memory_space<vmem_shared>> -> memref<80x16xf32, #tpu.memory_space<vmem_shared>>
      tpu.wait_dma2 semaphore(%run_scoped3A : memref<!tpu.dma_semaphore, #tpu.memory_space<semaphore_mem>>) src(%arg6 : memref<80x16xf32, #tpu.memory_space<vmem>>) dst(%dma_wait3A_39 : memref<80x16xf32, #tpu.memory_space<vmem_shared>>)
      tpu.yield
    }) : () -> ()
    %add3A_17 = arith.constant 240 : i32
    %add3A_18 = arith.addi %mul3A_0, %add3A_17 : i32
    "tpu.region"() ({
      %run_scoped3A = tpu.sem_alloc : memref<!tpu.dma_semaphore, #tpu.memory_space<semaphore_mem>>
      %dma_start3A = arith.constant 0 : i32
      %dma_start3A_34 = tpu.memref_slice %arg7[%add3A_18, %dma_start3A] : memref<10240x16xf32, #tpu.memory_space<vmem_shared>> -> memref<80x16xf32, #tpu.memory_space<vmem_shared>>
      %dma_start3A_35 = arith.constant 0 : i32
      %dma_start3A_36 = tpu.memref_slice %arg7[%add3A_18, %dma_start3A_35] : memref<10240x16xf32, #tpu.memory_space<vmem_shared>> -> memref<80x16xf32, #tpu.memory_space<vmem_shared>>
      tpu.enqueue_dma source(%arg6 : memref<80x16xf32, #tpu.memory_space<vmem>>) target(%dma_start3A_36 : memref<80x16xf32, #tpu.memory_space<vmem_shared>>) target_semaphore(%run_scoped3A : memref<!tpu.dma_semaphore, #tpu.memory_space<semaphore_mem>>)
      %dma_wait3A = arith.constant 0 : i32
      %dma_wait3A_37 = tpu.memref_slice %arg7[%add3A_18, %dma_wait3A] : memref<10240x16xf32, #tpu.memory_space<vmem_shared>> -> memref<80x16xf32, #tpu.memory_space<vmem_shared>>
      %dma_wait3A_38 = arith.constant 0 : i32
      %dma_wait3A_39 = tpu.memref_slice %arg7[%add3A_18, %dma_wait3A_38] : memref<10240x16xf32, #tpu.memory_space<vmem_shared>> -> memref<80x16xf32, #tpu.memory_space<vmem_shared>>
      tpu.wait_dma2 semaphore(%run_scoped3A : memref<!tpu.dma_semaphore, #tpu.memory_space<semaphore_mem>>) src(%arg6 : memref<80x16xf32, #tpu.memory_space<vmem>>) dst(%dma_wait3A_39 : memref<80x16xf32, #tpu.memory_space<vmem_shared>>)
      tpu.yield
    }) : () -> ()
    %add3A_19 = arith.constant 320 : i32
    %add3A_20 = arith.addi %mul3A_0, %add3A_19 : i32
    "tpu.region"() ({
      %run_scoped3A = tpu.sem_alloc : memref<!tpu.dma_semaphore, #tpu.memory_space<semaphore_mem>>
      %dma_start3A = arith.constant 0 : i32
      %dma_start3A_34 = tpu.memref_slice %arg7[%add3A_20, %dma_start3A] : memref<10240x16xf32, #tpu.memory_space<vmem_shared>> -> memref<80x16xf32, #tpu.memory_space<vmem_shared>>
      %dma_start3A_35 = arith.constant 0 : i32
      %dma_start3A_36 = tpu.memref_slice %arg7[%add3A_20, %dma_start3A_35] : memref<10240x16xf32, #tpu.memory_space<vmem_shared>> -> memref<80x16xf32, #tpu.memory_space<vmem_shared>>
      tpu.enqueue_dma source(%arg6 : memref<80x16xf32, #tpu.memory_space<vmem>>) target(%dma_start3A_36 : memref<80x16xf32, #tpu.memory_space<vmem_shared>>) target_semaphore(%run_scoped3A : memref<!tpu.dma_semaphore, #tpu.memory_space<semaphore_mem>>)
      %dma_wait3A = arith.constant 0 : i32
      %dma_wait3A_37 = tpu.memref_slice %arg7[%add3A_20, %dma_wait3A] : memref<10240x16xf32, #tpu.memory_space<vmem_shared>> -> memref<80x16xf32, #tpu.memory_space<vmem_shared>>
      %dma_wait3A_38 = arith.constant 0 : i32
      %dma_wait3A_39 = tpu.memref_slice %arg7[%add3A_20, %dma_wait3A_38] : memref<10240x16xf32, #tpu.memory_space<vmem_shared>> -> memref<80x16xf32, #tpu.memory_space<vmem_shared>>
      tpu.wait_dma2 semaphore(%run_scoped3A : memref<!tpu.dma_semaphore, #tpu.memory_space<semaphore_mem>>) src(%arg6 : memref<80x16xf32, #tpu.memory_space<vmem>>) dst(%dma_wait3A_39 : memref<80x16xf32, #tpu.memory_space<vmem_shared>>)
      tpu.yield
    }) : () -> ()
    %add3A_21 = arith.constant 400 : i32
    %add3A_22 = arith.addi %mul3A_0, %add3A_21 : i32
    "tpu.region"() ({
      %run_scoped3A = tpu.sem_alloc : memref<!tpu.dma_semaphore, #tpu.memory_space<semaphore_mem>>
      %dma_start3A = arith.constant 0 : i32
      %dma_start3A_34 = tpu.memref_slice %arg7[%add3A_22, %dma_start3A] : memref<10240x16xf32, #tpu.memory_space<vmem_shared>> -> memref<80x16xf32, #tpu.memory_space<vmem_shared>>
      %dma_start3A_35 = arith.constant 0 : i32
      %dma_start3A_36 = tpu.memref_slice %arg7[%add3A_22, %dma_start3A_35] : memref<10240x16xf32, #tpu.memory_space<vmem_shared>> -> memref<80x16xf32, #tpu.memory_space<vmem_shared>>
      tpu.enqueue_dma source(%arg6 : memref<80x16xf32, #tpu.memory_space<vmem>>) target(%dma_start3A_36 : memref<80x16xf32, #tpu.memory_space<vmem_shared>>) target_semaphore(%run_scoped3A : memref<!tpu.dma_semaphore, #tpu.memory_space<semaphore_mem>>)
      %dma_wait3A = arith.constant 0 : i32
      %dma_wait3A_37 = tpu.memref_slice %arg7[%add3A_22, %dma_wait3A] : memref<10240x16xf32, #tpu.memory_space<vmem_shared>> -> memref<80x16xf32, #tpu.memory_space<vmem_shared>>
      %dma_wait3A_38 = arith.constant 0 : i32
      %dma_wait3A_39 = tpu.memref_slice %arg7[%add3A_22, %dma_wait3A_38] : memref<10240x16xf32, #tpu.memory_space<vmem_shared>> -> memref<80x16xf32, #tpu.memory_space<vmem_shared>>
      tpu.wait_dma2 semaphore(%run_scoped3A : memref<!tpu.dma_semaphore, #tpu.memory_space<semaphore_mem>>) src(%arg6 : memref<80x16xf32, #tpu.memory_space<vmem>>) dst(%dma_wait3A_39 : memref<80x16xf32, #tpu.memory_space<vmem_shared>>)
      tpu.yield
    }) : () -> ()
    %add3A_23 = arith.constant 480 : i32
    %add3A_24 = arith.addi %mul3A_0, %add3A_23 : i32
    "tpu.region"() ({
      %run_scoped3A = tpu.sem_alloc : memref<!tpu.dma_semaphore, #tpu.memory_space<semaphore_mem>>
      %dma_start3A = arith.constant 0 : i32
      %dma_start3A_34 = tpu.memref_slice %arg7[%add3A_24, %dma_start3A] : memref<10240x16xf32, #tpu.memory_space<vmem_shared>> -> memref<80x16xf32, #tpu.memory_space<vmem_shared>>
      %dma_start3A_35 = arith.constant 0 : i32
      %dma_start3A_36 = tpu.memref_slice %arg7[%add3A_24, %dma_start3A_35] : memref<10240x16xf32, #tpu.memory_space<vmem_shared>> -> memref<80x16xf32, #tpu.memory_space<vmem_shared>>
      tpu.enqueue_dma source(%arg6 : memref<80x16xf32, #tpu.memory_space<vmem>>) target(%dma_start3A_36 : memref<80x16xf32, #tpu.memory_space<vmem_shared>>) target_semaphore(%run_scoped3A : memref<!tpu.dma_semaphore, #tpu.memory_space<semaphore_mem>>)
      %dma_wait3A = arith.constant 0 : i32
      %dma_wait3A_37 = tpu.memref_slice %arg7[%add3A_24, %dma_wait3A] : memref<10240x16xf32, #tpu.memory_space<vmem_shared>> -> memref<80x16xf32, #tpu.memory_space<vmem_shared>>
      %dma_wait3A_38 = arith.constant 0 : i32
      %dma_wait3A_39 = tpu.memref_slice %arg7[%add3A_24, %dma_wait3A_38] : memref<10240x16xf32, #tpu.memory_space<vmem_shared>> -> memref<80x16xf32, #tpu.memory_space<vmem_shared>>
      tpu.wait_dma2 semaphore(%run_scoped3A : memref<!tpu.dma_semaphore, #tpu.memory_space<semaphore_mem>>) src(%arg6 : memref<80x16xf32, #tpu.memory_space<vmem>>) dst(%dma_wait3A_39 : memref<80x16xf32, #tpu.memory_space<vmem_shared>>)
      tpu.yield
    }) : () -> ()
    %add3A_25 = arith.constant 560 : i32
    %add3A_26 = arith.addi %mul3A_0, %add3A_25 : i32
    "tpu.region"() ({
      %run_scoped3A = tpu.sem_alloc : memref<!tpu.dma_semaphore, #tpu.memory_space<semaphore_mem>>
      %dma_start3A = arith.constant 0 : i32
      %dma_start3A_34 = tpu.memref_slice %arg7[%add3A_26, %dma_start3A] : memref<10240x16xf32, #tpu.memory_space<vmem_shared>> -> memref<80x16xf32, #tpu.memory_space<vmem_shared>>
      %dma_start3A_35 = arith.constant 0 : i32
      %dma_start3A_36 = tpu.memref_slice %arg7[%add3A_26, %dma_start3A_35] : memref<10240x16xf32, #tpu.memory_space<vmem_shared>> -> memref<80x16xf32, #tpu.memory_space<vmem_shared>>
      tpu.enqueue_dma source(%arg6 : memref<80x16xf32, #tpu.memory_space<vmem>>) target(%dma_start3A_36 : memref<80x16xf32, #tpu.memory_space<vmem_shared>>) target_semaphore(%run_scoped3A : memref<!tpu.dma_semaphore, #tpu.memory_space<semaphore_mem>>)
      %dma_wait3A = arith.constant 0 : i32
      %dma_wait3A_37 = tpu.memref_slice %arg7[%add3A_26, %dma_wait3A] : memref<10240x16xf32, #tpu.memory_space<vmem_shared>> -> memref<80x16xf32, #tpu.memory_space<vmem_shared>>
      %dma_wait3A_38 = arith.constant 0 : i32
      %dma_wait3A_39 = tpu.memref_slice %arg7[%add3A_26, %dma_wait3A_38] : memref<10240x16xf32, #tpu.memory_space<vmem_shared>> -> memref<80x16xf32, #tpu.memory_space<vmem_shared>>
      tpu.wait_dma2 semaphore(%run_scoped3A : memref<!tpu.dma_semaphore, #tpu.memory_space<semaphore_mem>>) src(%arg6 : memref<80x16xf32, #tpu.memory_space<vmem>>) dst(%dma_wait3A_39 : memref<80x16xf32, #tpu.memory_space<vmem_shared>>)
      tpu.yield
    }) : () -> ()
    "tpu.region"() ({
      %run_scoped3A = tpu.sem_alloc : memref<!tpu.dma_semaphore, #tpu.memory_space<semaphore_mem>>
      %dma_start3A = arith.constant 0 : i32
      %dma_start3A_34 = arith.constant 0 : i32
      %dma_start3A_35 = tpu.memref_slice %arg2[%arg0, %arg1, %dma_start3A, %dma_start3A_34] : memref<2x16x125x80xi32, #tpu.memory_space<hbm>> -> memref<1x1x125x80xi32, #tpu.memory_space<hbm>>
      %dma_start3A_36 = tpu.memref_squeeze %dma_start3A_35 : memref<1x1x125x80xi32, #tpu.memory_space<hbm>> -> memref<125x80xi32, #tpu.memory_space<hbm>>
      %dma_start3A_37 = arith.constant 0 : i32
      %dma_start3A_38 = arith.constant 0 : i32
      %dma_start3A_39 = tpu.memref_slice %arg2[%arg0, %arg1, %dma_start3A_37, %dma_start3A_38] : memref<2x16x125x80xi32, #tpu.memory_space<hbm>> -> memref<1x1x125x80xi32, #tpu.memory_space<hbm>>
      %dma_start3A_40 = tpu.memref_squeeze %dma_start3A_39 : memref<1x1x125x80xi32, #tpu.memory_space<hbm>> -> memref<125x80xi32, #tpu.memory_space<hbm>>
      tpu.enqueue_dma source(%dma_start3A_40 : memref<125x80xi32, #tpu.memory_space<hbm>>) target(%arg4 : memref<125x80xi32, #tpu.memory_space<vmem>>) target_semaphore(%run_scoped3A : memref<!tpu.dma_semaphore, #tpu.memory_space<semaphore_mem>>)
      %dma_wait3A = arith.constant 0 : i32
      %dma_wait3A_41 = arith.constant 0 : i32
      %dma_wait3A_42 = tpu.memref_slice %arg2[%arg0, %arg1, %dma_wait3A, %dma_wait3A_41] : memref<2x16x125x80xi32, #tpu.memory_space<hbm>> -> memref<1x1x125x80xi32, #tpu.memory_space<hbm>>
      %dma_wait3A_43 = tpu.memref_squeeze %dma_wait3A_42 : memref<1x1x125x80xi32, #tpu.memory_space<hbm>> -> memref<125x80xi32, #tpu.memory_space<hbm>>
      %dma_wait3A_44 = arith.constant 0 : i32
      %dma_wait3A_45 = arith.constant 0 : i32
      %dma_wait3A_46 = tpu.memref_slice %arg2[%arg0, %arg1, %dma_wait3A_44, %dma_wait3A_45] : memref<2x16x125x80xi32, #tpu.memory_space<hbm>> -> memref<1x1x125x80xi32, #tpu.memory_space<hbm>>
      %dma_wait3A_47 = tpu.memref_squeeze %dma_wait3A_46 : memref<1x1x125x80xi32, #tpu.memory_space<hbm>> -> memref<125x80xi32, #tpu.memory_space<hbm>>
      tpu.wait_dma2 semaphore(%run_scoped3A : memref<!tpu.dma_semaphore, #tpu.memory_space<semaphore_mem>>) src(%dma_wait3A_47 : memref<125x80xi32, #tpu.memory_space<hbm>>) dst(%arg4 : memref<125x80xi32, #tpu.memory_space<vmem>>)
      tpu.yield
    }) : () -> ()
    %barrier3A = arith.constant 0 : index
    tpu.barrier barrier_id(%barrier3A)
    %scan3A_27 = arith.constant 0 : i32
    %scan3A_28 = arith.constant 0 : i32
    %scan3A_29 = arith.constant 125 : i32
    %scan3A_30 = arith.addi %scan3A_28, %scan3A_29 : i32
    %scan3A_31 = arith.constant 1 : i32
    scf.for %scan3A_34 = %scan3A_28 to %scan3A_30 step %scan3A_31  : i32 {
      "tpu.region"() ({
        %run_scoped3A = tpu.sem_alloc : memref<!tpu.dma_semaphore, #tpu.memory_space<semaphore_mem>>
        %dma_start3A = arith.constant 0 : i32
        %dma_start3A_35 = tpu.memref_slice %arg4[%scan3A_34, %dma_start3A] : memref<125x80xi32, #tpu.memory_space<vmem>> -> memref<1x80xi32, #tpu.memory_space<vmem>>
        %dma_start3A_36 = tpu.memref_squeeze %dma_start3A_35 : memref<1x80xi32, #tpu.memory_space<vmem>> -> memref<80xi32, #tpu.memory_space<vmem>>
        %dma_start3A_37 = arith.constant 0 : i32
        %dma_start3A_38 = arith.constant 0 : i32
        %dma_start3A_39 = tpu.memref_slice %arg7[%dma_start3A_37, %dma_start3A_38] : memref<10240x16xf32, #tpu.memory_space<vmem_shared>> -> memref<10240x16xf32, #tpu.memory_space<vmem_shared>>
        tpu.enqueue_indirect_dma source(%arg5 : memref<80x16xf32, #tpu.memory_space<vmem>>) target(%dma_start3A_39 : memref<10240x16xf32, #tpu.memory_space<vmem_shared>>) offsets(%dma_start3A_36 : memref<80xi32, #tpu.memory_space<vmem>>) semaphore(%run_scoped3A : memref<!tpu.dma_semaphore, #tpu.memory_space<semaphore_mem>>) {add = true}
        %dma_wait3A = arith.constant 0 : i32
        %dma_wait3A_40 = tpu.memref_slice %arg4[%scan3A_34, %dma_wait3A] : memref<125x80xi32, #tpu.memory_space<vmem>> -> memref<1x80xi32, #tpu.memory_space<vmem>>
        %dma_wait3A_41 = tpu.memref_squeeze %dma_wait3A_40 : memref<1x80xi32, #tpu.memory_space<vmem>> -> memref<80xi32, #tpu.memory_space<vmem>>
        %dma_wait3A_42 = arith.constant 0 : i32
        %dma_wait3A_43 = arith.constant 0 : i32
        %dma_wait3A_44 = tpu.memref_slice %arg7[%dma_wait3A_42, %dma_wait3A_43] : memref<10240x16xf32, #tpu.memory_space<vmem_shared>> -> memref<10240x16xf32, #tpu.memory_space<vmem_shared>>
        tpu.wait_indirect_dma semaphore(%run_scoped3A : memref<!tpu.dma_semaphore, #tpu.memory_space<semaphore_mem>>) src(%arg5 : memref<80x16xf32, #tpu.memory_space<vmem>>) dst(%dma_wait3A_44 : memref<10240x16xf32, #tpu.memory_space<vmem_shared>>)
        tpu.yield
      }) : () -> ()
    }
    %scan3A_32 = arith.constant 125 : i32
    %barrier3A_33 = arith.constant 0 : index
    tpu.barrier barrier_id(%barrier3A_33)
    "tpu.region"() ({
      %run_scoped3A = tpu.sem_alloc : memref<!tpu.dma_semaphore, #tpu.memory_space<semaphore_mem>>
      %dma_start3A = arith.constant 0 : i32
      %dma_start3A_34 = tpu.memref_slice %arg3[%arg0, %mul3A_0, %dma_start3A] : memref<2x10240x16xf32, #tpu.memory_space<hbm>> -> memref<1x640x16xf32, #tpu.memory_space<hbm>>
      %dma_start3A_35 = tpu.memref_squeeze %dma_start3A_34 : memref<1x640x16xf32, #tpu.memory_space<hbm>> -> memref<640x16xf32, #tpu.memory_space<hbm>>
      %dma_start3A_36 = arith.constant 0 : i32
      %dma_start3A_37 = tpu.memref_slice %arg7[%mul3A_0, %dma_start3A_36] : memref<10240x16xf32, #tpu.memory_space<vmem_shared>> -> memref<640x16xf32, #tpu.memory_space<vmem_shared>>
      tpu.enqueue_dma source(%dma_start3A_37 : memref<640x16xf32, #tpu.memory_space<vmem_shared>>) target(%dma_start3A_35 : memref<640x16xf32, #tpu.memory_space<hbm>>) target_semaphore(%run_scoped3A : memref<!tpu.dma_semaphore, #tpu.memory_space<semaphore_mem>>)
      %dma_wait3A = arith.constant 0 : i32
      %dma_wait3A_38 = tpu.memref_slice %arg3[%arg0, %mul3A_0, %dma_wait3A] : memref<2x10240x16xf32, #tpu.memory_space<hbm>> -> memref<1x640x16xf32, #tpu.memory_space<hbm>>
      %dma_wait3A_39 = tpu.memref_squeeze %dma_wait3A_38 : memref<1x640x16xf32, #tpu.memory_space<hbm>> -> memref<640x16xf32, #tpu.memory_space<hbm>>
      %dma_wait3A_40 = arith.constant 0 : i32
      %dma_wait3A_41 = tpu.memref_slice %arg7[%mul3A_0, %dma_wait3A_40] : memref<10240x16xf32, #tpu.memory_space<vmem_shared>> -> memref<640x16xf32, #tpu.memory_space<vmem_shared>>
      tpu.wait_dma2 semaphore(%run_scoped3A : memref<!tpu.dma_semaphore, #tpu.memory_space<semaphore_mem>>) src(%dma_wait3A_41 : memref<640x16xf32, #tpu.memory_space<vmem_shared>>) dst(%dma_wait3A_39 : memref<640x16xf32, #tpu.memory_space<hbm>>)
      tpu.yield
    }) : () -> ()
    return
  }
}

module attributes {stable_mosaic.version = 14 : i64} {
  func.func @_tc_pre_body(%arg0: i32, %arg1: memref<400x128xf32, #tpu.memory_space<vmem>>, %arg2: memref<128x128xf32, #tpu.memory_space<vmem>>, %arg3: memref<400x16xf32, #tpu.memory_space<vmem>>, %arg4: memref<400x16xf32, #tpu.memory_space<vmem>>, %arg5: memref<400x128xf32, #tpu.memory_space<vmem>>) attributes {dimension_semantics = [#tpu.dimension_semantics<arbitrary>], iteration_bounds = array<i64: 25>, scalar_prefetch = 0 : i64, scratch_operands = 0 : i64, tpu.core_type = #tpu.core_type<tc>, window_params = [{transform_indices = @transform_0, window_bounds = array<i64: 400, 128>}, {pipeline_mode = #tpu.pipeline_mode<synchronous>, transform_indices = @transform_1, window_bounds = array<i64: 128, 128>}, {transform_indices = @transform_2, window_bounds = array<i64: 400, 16>}, {transform_indices = @transform_3, window_bounds = array<i64: 400, 16>}, {transform_indices = @transform_4, window_bounds = array<i64: 400, 128>}]} {
    %get3A = arith.constant 0 : index
    %get3A_0 = arith.constant 0 : index
    %get3A_1 = vector.load %arg3[%get3A, %get3A_0] : memref<400x16xf32, #tpu.memory_space<vmem>>, vector<400x1xf32>
    %get3A_2 = arith.constant 0 : index
    %get3A_3 = arith.constant 0 : index
    %get3A_4 = vector.load %arg4[%get3A_2, %get3A_3] : memref<400x16xf32, #tpu.memory_space<vmem>>, vector<400x1xf32>
    %add3A = arith.addf %get3A_1, %get3A_4 : vector<400x1xf32>
    %add3A_5 = arith.constant 1.000000e+00 : f32
    %add3A_6 = vector.broadcast %add3A_5 : f32 to vector<400x1xf32>
    %add3A_7 = arith.addf %add3A, %add3A_6 : vector<400x1xf32>
    %rsqrt3A = math.rsqrt %add3A_7 : vector<400x1xf32>
    %get3A_8 = arith.constant 0 : index
    %get3A_9 = arith.constant 0 : index
    %get3A_10 = vector.load %arg1[%get3A_8, %get3A_9] : memref<400x128xf32, #tpu.memory_space<vmem>>, vector<400x128xf32>
    %get3A_11 = arith.constant 0 : index
    %get3A_12 = arith.constant 0 : index
    %get3A_13 = vector.load %arg2[%get3A_11, %get3A_12] : memref<128x128xf32, #tpu.memory_space<vmem>>, vector<128x128xf32>
    %dot_general3A = arith.constant dense<0.000000e+00> : vector<400x128xf32>
    %dot_general3A_14 = tpu.matmul %get3A_10, %get3A_13, %dot_general3A {dimension_numbers = #tpu.dot_dimension_numbers<[1], [0], [0], [1], [0, 0, 1, 1], [], []>, transpose_lhs_hint = false} : vector<400x128xf32>, vector<128x128xf32>, vector<400x128xf32> -> vector<400x128xf32>
    %mul3A = vector.broadcast %rsqrt3A : vector<400x1xf32> to vector<400x128xf32>
    %mul3A_15 = arith.mulf %dot_general3A_14, %mul3A : vector<400x128xf32>
    %swap3A = arith.constant 0 : index
    %swap3A_16 = arith.constant 0 : index
    %swap3A_17 = vector.load %arg5[%swap3A, %swap3A_16] : memref<400x128xf32, #tpu.memory_space<vmem>>, vector<400x128xf32>
    tpu.vector_store %arg5[%swap3A, %swap3A_16], %mul3A_15 {strides = array<i32>} : memref<400x128xf32, #tpu.memory_space<vmem>>, vector<400x128xf32>,
    return
  }
  func.func @transform_0(%arg0: i32) -> (i32, i32) {
    %c0_i32 = arith.constant 0 : i32
    %c0_i32_0 = arith.constant 0 : i32
    return %arg0, %c0_i32 : i32, i32
  }
  func.func @transform_1(%arg0: i32) -> (i32, i32) {
    %c0_i32 = arith.constant 0 : i32
    %c0_i32_0 = arith.constant 0 : i32
    %c0_i32_1 = arith.constant 0 : i32
    return %c0_i32, %c0_i32_0 : i32, i32
  }
  func.func @transform_2(%arg0: i32) -> (i32, i32) {
    %c0_i32 = arith.constant 0 : i32
    %c0_i32_0 = arith.constant 0 : i32
    return %arg0, %c0_i32 : i32, i32
  }
  func.func @transform_3(%arg0: i32) -> (i32, i32) {
    %c0_i32 = arith.constant 0 : i32
    %c0_i32_0 = arith.constant 0 : i32
    return %arg0, %c0_i32 : i32, i32
  }
  func.func @transform_4(%arg0: i32) -> (i32, i32) {
    %c0_i32 = arith.constant 0 : i32
    %c0_i32_0 = arith.constant 0 : i32
    return %arg0, %c0_i32 : i32, i32
  }
}

module attributes {stable_mosaic.version = 14 : i64} {
  func.func @_tc_mid_body(%arg0: i32, %arg1: memref<400x128xf32, #tpu.memory_space<vmem>>, %arg2: memref<400x128xf32, #tpu.memory_space<vmem>>, %arg3: memref<400x128xf32, #tpu.memory_space<vmem>>, %arg4: memref<1x128xf32, #tpu.memory_space<vmem>>, %arg5: memref<128x128xf32, #tpu.memory_space<vmem>>, %arg6: memref<400x16xf32, #tpu.memory_space<vmem>>, %arg7: memref<400x16xf32, #tpu.memory_space<vmem>>, %arg8: memref<400x128xf32, #tpu.memory_space<vmem>>) attributes {dimension_semantics = [#tpu.dimension_semantics<arbitrary>], iteration_bounds = array<i64: 25>, scalar_prefetch = 0 : i64, scratch_operands = 0 : i64, tpu.core_type = #tpu.core_type<tc>, window_params = [{transform_indices = @transform_0, window_bounds = array<i64: 400, 128>}, {transform_indices = @transform_1, window_bounds = array<i64: 400, 128>}, {transform_indices = @transform_2, window_bounds = array<i64: 400, 128>}, {pipeline_mode = #tpu.pipeline_mode<synchronous>, transform_indices = @transform_3, window_bounds = array<i64: 1, 128>}, {pipeline_mode = #tpu.pipeline_mode<synchronous>, transform_indices = @transform_4, window_bounds = array<i64: 128, 128>}, {transform_indices = @transform_5, window_bounds = array<i64: 400, 16>}, {transform_indices = @transform_6, window_bounds = array<i64: 400, 16>}, {transform_indices = @transform_7, window_bounds = array<i64: 400, 128>}]} {
    %get3A = arith.constant 0 : index
    %get3A_0 = arith.constant 0 : index
    %get3A_1 = vector.load %arg6[%get3A, %get3A_0] : memref<400x16xf32, #tpu.memory_space<vmem>>, vector<400x1xf32>
    %get3A_2 = arith.constant 0 : index
    %get3A_3 = arith.constant 0 : index
    %get3A_4 = vector.load %arg7[%get3A_2, %get3A_3] : memref<400x16xf32, #tpu.memory_space<vmem>>, vector<400x1xf32>
    %add3A = arith.addf %get3A_1, %get3A_4 : vector<400x1xf32>
    %add3A_5 = arith.constant 1.000000e+00 : f32
    %add3A_6 = vector.broadcast %add3A_5 : f32 to vector<400x1xf32>
    %add3A_7 = arith.addf %add3A, %add3A_6 : vector<400x1xf32>
    %rsqrt3A = math.rsqrt %add3A_7 : vector<400x1xf32>
    %get3A_8 = arith.constant 0 : index
    %get3A_9 = arith.constant 0 : index
    %get3A_10 = vector.load %arg1[%get3A_8, %get3A_9] : memref<400x128xf32, #tpu.memory_space<vmem>>, vector<400x128xf32>
    %get3A_11 = arith.constant 0 : index
    %get3A_12 = arith.constant 0 : index
    %get3A_13 = vector.load %arg2[%get3A_11, %get3A_12] : memref<400x128xf32, #tpu.memory_space<vmem>>, vector<400x128xf32>
    %add3A_14 = arith.addf %get3A_10, %get3A_13 : vector<400x128xf32>
    %get3A_15 = arith.constant 0 : index
    %get3A_16 = arith.constant 0 : index
    %get3A_17 = vector.load %arg3[%get3A_15, %get3A_16] : memref<400x128xf32, #tpu.memory_space<vmem>>, vector<400x128xf32>
    %add3A_18 = arith.addf %add3A_14, %get3A_17 : vector<400x128xf32>
    %mul3A = vector.broadcast %rsqrt3A : vector<400x1xf32> to vector<400x128xf32>
    %mul3A_19 = arith.mulf %mul3A, %add3A_18 : vector<400x128xf32>
    %get3A_20 = arith.constant 0 : index
    %get3A_21 = arith.constant 0 : index
    %get3A_22 = vector.load %arg4[%get3A_20, %get3A_21] : memref<1x128xf32, #tpu.memory_space<vmem>>, vector<1x128xf32>
    %add3A_23 = vector.broadcast %get3A_22 : vector<1x128xf32> to vector<400x128xf32>
    %add3A_24 = arith.addf %mul3A_19, %add3A_23 : vector<400x128xf32>
    %max3A = arith.constant 0.000000e+00 : f32
    %max3A_25 = vector.broadcast %max3A : f32 to vector<400x128xf32>
    %max3A_26 = arith.maximumf %add3A_24, %max3A_25 : vector<400x128xf32>
    %get3A_27 = arith.constant 0 : index
    %get3A_28 = arith.constant 0 : index
    %get3A_29 = vector.load %arg5[%get3A_27, %get3A_28] : memref<128x128xf32, #tpu.memory_space<vmem>>, vector<128x128xf32>
    %dot_general3A = arith.constant dense<0.000000e+00> : vector<400x128xf32>
    %dot_general3A_30 = tpu.matmul %max3A_26, %get3A_29, %dot_general3A {dimension_numbers = #tpu.dot_dimension_numbers<[1], [0], [0], [1], [0, 0, 1, 1], [], []>, transpose_lhs_hint = false} : vector<400x128xf32>, vector<128x128xf32>, vector<400x128xf32> -> vector<400x128xf32>
    %mul3A_31 = vector.broadcast %rsqrt3A : vector<400x1xf32> to vector<400x128xf32>
    %mul3A_32 = arith.mulf %dot_general3A_30, %mul3A_31 : vector<400x128xf32>
    %swap3A = arith.constant 0 : index
    %swap3A_33 = arith.constant 0 : index
    %swap3A_34 = vector.load %arg8[%swap3A, %swap3A_33] : memref<400x128xf32, #tpu.memory_space<vmem>>, vector<400x128xf32>
    tpu.vector_store %arg8[%swap3A, %swap3A_33], %mul3A_32 {strides = array<i32>} : memref<400x128xf32, #tpu.memory_space<vmem>>, vector<400x128xf32>,
    return
  }
  func.func @transform_0(%arg0: i32) -> (i32, i32) {
    %c0_i32 = arith.constant 0 : i32
    %c0_i32_0 = arith.constant 0 : i32
    return %arg0, %c0_i32 : i32, i32
  }
  func.func @transform_1(%arg0: i32) -> (i32, i32) {
    %c0_i32 = arith.constant 0 : i32
    %c0_i32_0 = arith.constant 0 : i32
    return %arg0, %c0_i32 : i32, i32
  }
  func.func @transform_2(%arg0: i32) -> (i32, i32) {
    %c0_i32 = arith.constant 0 : i32
    %c0_i32_0 = arith.constant 0 : i32
    return %arg0, %c0_i32 : i32, i32
  }
  func.func @transform_3(%arg0: i32) -> (i32, i32) {
    %c0_i32 = arith.constant 0 : i32
    %c0_i32_0 = arith.constant 0 : i32
    %c0_i32_1 = arith.constant 0 : i32
    return %c0_i32, %c0_i32_0 : i32, i32
  }
  func.func @transform_4(%arg0: i32) -> (i32, i32) {
    %c0_i32 = arith.constant 0 : i32
    %c0_i32_0 = arith.constant 0 : i32
    %c0_i32_1 = arith.constant 0 : i32
    return %c0_i32, %c0_i32_0 : i32, i32
  }
  func.func @transform_5(%arg0: i32) -> (i32, i32) {
    %c0_i32 = arith.constant 0 : i32
    %c0_i32_0 = arith.constant 0 : i32
    return %arg0, %c0_i32 : i32, i32
  }
  func.func @transform_6(%arg0: i32) -> (i32, i32) {
    %c0_i32 = arith.constant 0 : i32
    %c0_i32_0 = arith.constant 0 : i32
    return %arg0, %c0_i32 : i32, i32
  }
  func.func @transform_7(%arg0: i32) -> (i32, i32) {
    %c0_i32 = arith.constant 0 : i32
    %c0_i32_0 = arith.constant 0 : i32
    return %arg0, %c0_i32 : i32, i32
  }
}

module attributes {stable_mosaic.version = 14 : i64} {
  func.func @_tc_post_body(%arg0: i32, %arg1: memref<400x128xf32, #tpu.memory_space<vmem>>, %arg2: memref<400x128xf32, #tpu.memory_space<vmem>>, %arg3: memref<400x128xf32, #tpu.memory_space<vmem>>, %arg4: memref<1x128xf32, #tpu.memory_space<vmem>>, %arg5: memref<400x16xf32, #tpu.memory_space<vmem>>, %arg6: memref<400x16xf32, #tpu.memory_space<vmem>>, %arg7: memref<400x128xf32, #tpu.memory_space<vmem>>) attributes {dimension_semantics = [#tpu.dimension_semantics<arbitrary>], iteration_bounds = array<i64: 25>, scalar_prefetch = 0 : i64, scratch_operands = 0 : i64, tpu.core_type = #tpu.core_type<tc>, window_params = [{transform_indices = @transform_0, window_bounds = array<i64: 400, 128>}, {transform_indices = @transform_1, window_bounds = array<i64: 400, 128>}, {transform_indices = @transform_2, window_bounds = array<i64: 400, 128>}, {pipeline_mode = #tpu.pipeline_mode<synchronous>, transform_indices = @transform_3, window_bounds = array<i64: 1, 128>}, {transform_indices = @transform_4, window_bounds = array<i64: 400, 16>}, {transform_indices = @transform_5, window_bounds = array<i64: 400, 16>}, {transform_indices = @transform_6, window_bounds = array<i64: 400, 128>}]} {
    %get3A = arith.constant 0 : index
    %get3A_0 = arith.constant 0 : index
    %get3A_1 = vector.load %arg5[%get3A, %get3A_0] : memref<400x16xf32, #tpu.memory_space<vmem>>, vector<400x1xf32>
    %get3A_2 = arith.constant 0 : index
    %get3A_3 = arith.constant 0 : index
    %get3A_4 = vector.load %arg6[%get3A_2, %get3A_3] : memref<400x16xf32, #tpu.memory_space<vmem>>, vector<400x1xf32>
    %add3A = arith.addf %get3A_1, %get3A_4 : vector<400x1xf32>
    %add3A_5 = arith.constant 1.000000e+00 : f32
    %add3A_6 = vector.broadcast %add3A_5 : f32 to vector<400x1xf32>
    %add3A_7 = arith.addf %add3A, %add3A_6 : vector<400x1xf32>
    %rsqrt3A = math.rsqrt %add3A_7 : vector<400x1xf32>
    %get3A_8 = arith.constant 0 : index
    %get3A_9 = arith.constant 0 : index
    %get3A_10 = vector.load %arg1[%get3A_8, %get3A_9] : memref<400x128xf32, #tpu.memory_space<vmem>>, vector<400x128xf32>
    %get3A_11 = arith.constant 0 : index
    %get3A_12 = arith.constant 0 : index
    %get3A_13 = vector.load %arg2[%get3A_11, %get3A_12] : memref<400x128xf32, #tpu.memory_space<vmem>>, vector<400x128xf32>
    %add3A_14 = arith.addf %get3A_10, %get3A_13 : vector<400x128xf32>
    %get3A_15 = arith.constant 0 : index
    %get3A_16 = arith.constant 0 : index
    %get3A_17 = vector.load %arg3[%get3A_15, %get3A_16] : memref<400x128xf32, #tpu.memory_space<vmem>>, vector<400x128xf32>
    %add3A_18 = arith.addf %add3A_14, %get3A_17 : vector<400x128xf32>
    %mul3A = vector.broadcast %rsqrt3A : vector<400x1xf32> to vector<400x128xf32>
    %mul3A_19 = arith.mulf %mul3A, %add3A_18 : vector<400x128xf32>
    %get3A_20 = arith.constant 0 : index
    %get3A_21 = arith.constant 0 : index
    %get3A_22 = vector.load %arg4[%get3A_20, %get3A_21] : memref<1x128xf32, #tpu.memory_space<vmem>>, vector<1x128xf32>
    %add3A_23 = vector.broadcast %get3A_22 : vector<1x128xf32> to vector<400x128xf32>
    %add3A_24 = arith.addf %mul3A_19, %add3A_23 : vector<400x128xf32>
    %swap3A = arith.constant 0 : index
    %swap3A_25 = arith.constant 0 : index
    %swap3A_26 = vector.load %arg7[%swap3A, %swap3A_25] : memref<400x128xf32, #tpu.memory_space<vmem>>, vector<400x128xf32>
    tpu.vector_store %arg7[%swap3A, %swap3A_25], %add3A_24 {strides = array<i32>} : memref<400x128xf32, #tpu.memory_space<vmem>>, vector<400x128xf32>,
    return
  }
  func.func @transform_0(%arg0: i32) -> (i32, i32) {
    %c0_i32 = arith.constant 0 : i32
    %c0_i32_0 = arith.constant 0 : i32
    return %arg0, %c0_i32 : i32, i32
  }
  func.func @transform_1(%arg0: i32) -> (i32, i32) {
    %c0_i32 = arith.constant 0 : i32
    %c0_i32_0 = arith.constant 0 : i32
    return %arg0, %c0_i32 : i32, i32
  }
  func.func @transform_2(%arg0: i32) -> (i32, i32) {
    %c0_i32 = arith.constant 0 : i32
    %c0_i32_0 = arith.constant 0 : i32
    return %arg0, %c0_i32 : i32, i32
  }
  func.func @transform_3(%arg0: i32) -> (i32, i32) {
    %c0_i32 = arith.constant 0 : i32
    %c0_i32_0 = arith.constant 0 : i32
    %c0_i32_1 = arith.constant 0 : i32
    return %c0_i32, %c0_i32_0 : i32, i32
  }
  func.func @transform_4(%arg0: i32) -> (i32, i32) {
    %c0_i32 = arith.constant 0 : i32
    %c0_i32_0 = arith.constant 0 : i32
    return %arg0, %c0_i32 : i32, i32
  }
  func.func @transform_5(%arg0: i32) -> (i32, i32) {
    %c0_i32 = arith.constant 0 : i32
    %c0_i32_0 = arith.constant 0 : i32
    return %arg0, %c0_i32 : i32, i32
  }
  func.func @transform_6(%arg0: i32) -> (i32, i32) {
    %c0_i32 = arith.constant 0 : i32
    %c0_i32_0 = arith.constant 0 : i32
    return %arg0, %c0_i32 : i32, i32
  }
}

</mosaic_0001>

<sc_bundles>
// kernel: kernel.11.cloned.1.call-start
scs
__scs_entry_jumppad:
0x0: {  	(pc) =	sbr.rel $0x88, $3  }
0x1: {  	(tag) =	ssettag $0x0;
	lr =	simm.s32 $0x1  }
0x2: {  	[smem:$0x3F9B] =	sst lr;
	_ =	strace $0xD0000000  }
0x3: {  	_ = 	snop  }
0x4: {  	_ = 	snop  }
0x5: {  	_ = 	snop  }
0x6: {  	_ = 	snop  }
0x7: {  	_ = 	snop  }
__scs_overlays_trampoline_lowered:
0x8: {  	[smem:$0x3FAA] =	sst s0  }
0x9: {  	[smem:$0x3FAB] =	sst s1  }
0xa: {  	[smem:$0x3FAC] =	sst s2  }
0xb: {  	[smem:$0x3FAD] =	sst s3  }
0xc: {  	[smem:$0x3FAE] =	sst s4  }
0xd: {  	[smem:$0x3FAF] =	sst s5  }
0xe: {  	[smem:$0x3FB0] =	sst s6  }
0xf: {  	[smem:$0x3FB1] =	sst s7  }
0x10: {  	[smem:$0x3FB2] =	sst s8  }
0x11: {  	[smem:$0x3FB3] =	sst s9;
	s0 =	simm.s32 @!p0 $0x0  }
0x12: {  	s1 =	sld [smem:$0x3F99];
	s0 =	simm.s32 @p0 $0x1  }
0x13: {  	[smem:$0x3FB4] =	sst s0;
	s0 =	simm.s32 @!p1 $0x0  }
0x14: {  	s2 =	sld [smem:$0x3F98];
	s0 =	simm.s32 @p1 $0x1  }
0x15: {  	[smem:$0x3FB5] =	sst s0;
	s0 =	simm.s32 @!p2 $0x0  }
0x16: {  	s3 =	sld [smem:$0x3FDB];
	s0 =	simm.s32 @p2 $0x1  }
0x17: {  	s4 =	simm.s32 $0x1BF5;
	[smem:$0x3FB7] =	sst s0  }
0x18: {  	s0 =	sld [smem:$0x3F9A];
	_ =	swait.ge [sflag:s4], $0x0  }
0x19: {  	s7 =	sld [smem:$0x3F9B]  }
0x1a: {  	s8 =	sadd.s32 $0xFFFFE003, lr  }
0x1b: {  	s9 =	sadd.s32 $0xFFFFFEF7, lr;
	s5 =	simm.s32 $0xFFFFFFFF;
	p2 =	slt.u32 s8, $0xFFFFF086  }
0x1c: {  	p1 =	slt.u32 s9, $0xF7A;
	s5 =	simm.s32 @!p2 $0x0  }
0x1d: {  	s5 =	simm.s32 @p1 $0x1;
	p0 =	seq.s32 s7, s2  }
0x1e: {  	s7 =	smul.u32 @!p0 $0xF7A, s2;
	p2 =	seq.s32 @!p0 s5, $0x0  }
0x1f: {  	s9 =	smul.u32 $0xF7A, s1;
	s8 =	simm.s32 @!p0 $0x1BF5;
	p2 =	por !p2, p0  }
0x20: {  	[sflag:s8] =	ssyncset.s32 @!p0 $0xFFFFF086;
	s6 =	sadd.s32 @!p0 s3, s7;
	s7 =	simm.s32 @!p0 $0x108  }
0x21: {  	s3 =	sadd.s32 s3, s9;
	s6 =	sadd.s32 @!p0 $0x88, s6;
	s7 =	simm.s32 @p2 $0x1082  }
0x22: {  	[simem:s7], [sflag:s8] =	dma.local @!p0 [hbm:s6], $0xF7A  }
0x23: {  	s9 =	sor.u32 $0xD0000000, s2;
	s6 =	simm.s32 $0x108;
	_ =	swait.ge @!p0 [sflag:s8], $0x0  }
0x24: {  	s3 =	sadd.s32 $0x88, s3;
	s6 =	simm.s32 @!p1 $0x1082;
	[sflag:s4] =	ssyncset.s32 $0xFFFFF086  }
0x25: {  	[simem:s6], [sflag:s4] =	dma.local [hbm:s3], $0xF7A  }
0x26: {  	[smem:$0x3F9B] =	sst s1;
	(tag) =	ssettag s2;
	_ =	strace s9  }
0x27: {  	s1 =	sld [smem:$0x3FAB]  }
0x28: {  	s2 =	sld [smem:$0x3FAC]  }
0x29: {  	s4 =	sld [smem:$0x3FAE]  }
0x2a: {  	p0 =	seq.s32 s5, $0x0;
	s5 =	sld [smem:$0x3FAF]  }
0x2b: {  	s6 =	sld [smem:$0x3FB0]  }
0x2c: {  	s7 =	sld [smem:$0x3FB1]  }
0x2d: {  	s3 =	simm.s32 $0x108;
	s8 =	sld [smem:$0x3FB2]  }
0x2e: {  	s3 =	simm.s32 @!p0 $0x1082;
	s9 =	sld [smem:$0x3FB3]  }
0x2f: {  	lr =	sadd.s32 s0, s3;
	s0 =	sld [smem:$0x3FAA]  }
0x30: {  	s3 =	sld [smem:$0x3FAD]  }
0x31: {  	[smem:$0x3FB6] =	sst s10  }
0x32: {  	s10 =	sld [smem:$0x3FB4];
	_ =	sdelay $0x3  }
0x33: {  	p0 =	seq.s32 s10, $0x1;
	s10 =	sld [smem:$0x3FB6];
	_ =	sdelay $0x3  }
0x34: {  	[smem:$0x3FB6] =	sst s10  }
0x35: {  	s10 =	sld [smem:$0x3FB5];
	_ =	sdelay $0x3  }
0x36: {  	p1 =	seq.s32 s10, $0x1;
	s10 =	sld [smem:$0x3FB6];
	_ =	sdelay $0x3  }
0x37: {  	[smem:$0x3FB6] =	sst s10  }
0x38: {  	s10 =	sld [smem:$0x3FB7]  }
0x39: {  	_ = 	snop;
	(pc) =	sbr.ind lr, $3  }
0x3a: {  	_ = 	snop  }
0x3b: {  	_ = 	snop  }
0x3c: {  	p2 =	seq.s32 s10, $0x1;
	s10 =	sld [smem:$0x3FB6]  }
0x3d: {  	_ =	shalt  }
0x3e: {  	_ =	shalt  }
0x3f: {  	_ =	shalt  }
0x40: {  	_ =	shalt  }
0x41: {  	_ =	shalt  }
0x42: {  	_ =	shalt  }
0x43: {  	_ =	shalt  }
0x44: {  	_ =	shalt  }
0x45: {  	_ =	shalt  }
0x46: {  	_ =	shalt  }
0x47: {  	_ =	shalt  }
0x48: {  	_ =	shalt  }
0x49: {  	_ =	shalt  }
0x4a: {  	_ =	shalt  }
0x4b: {  	_ =	shalt  }
0x4c: {  	_ =	shalt  }
0x4d: {  	_ =	shalt  }
0x4e: {  	_ =	shalt  }
0x4f: {  	_ =	shalt  }
0x50: {  	_ =	shalt  }
0x51: {  	_ =	shalt  }
0x52: {  	_ =	shalt  }
0x53: {  	_ =	shalt  }
0x54: {  	_ =	shalt  }
0x55: {  	_ =	shalt  }
0x56: {  	_ =	shalt  }
0x57: {  	_ =	shalt  }
0x58: {  	_ =	shalt  }
0x59: {  	_ =	shalt  }
0x5a: {  	_ =	shalt  }
0x5b: {  	_ =	shalt  }
0x5c: {  	_ =	shalt  }
0x5d: {  	_ =	shalt  }
0x5e: {  	_ =	shalt  }
0x5f: {  	_ =	shalt  }
0x60: {  	_ =	shalt  }
0x61: {  	_ =	shalt  }
0x62: {  	_ =	shalt  }
0x63: {  	_ =	shalt  }
0x64: {  	_ =	shalt  }
0x65: {  	_ =	shalt  }
0x66: {  	_ =	shalt  }
0x67: {  	_ =	shalt  }
0x68: {  	_ =	shalt  }
0x69: {  	_ =	shalt  }
0x6a: {  	_ =	shalt  }
0x6b: {  	_ =	shalt  }
0x6c: {  	_ =	shalt  }
0x6d: {  	_ =	shalt  }
0x6e: {  	_ =	shalt  }
0x6f: {  	_ =	shalt  }
0x70: {  	_ =	shalt  }
0x71: {  	_ =	shalt  }
0x72: {  	_ =	shalt  }
0x73: {  	_ =	shalt  }
0x74: {  	_ =	shalt  }
0x75: {  	_ =	shalt  }
0x76: {  	_ =	shalt  }
0x77: {  	_ =	shalt  }
0x78: {  	_ =	shalt  }
0x79: {  	_ =	shalt  }
0x7a: {  	_ =	shalt  }
0x7b: {  	_ =	shalt  }
0x7c: {  	_ =	shalt  }
0x7d: {  	_ =	shalt  }
0x7e: {  	_ =	shalt  }
0x7f: {  	_ =	shalt  }
0x80: {  	_ =	shalt  }
0x81: {  	_ =	shalt  }
0x82: {  	_ =	shalt  }
0x83: {  	_ =	shalt  }
0x84: {  	_ =	shalt  }
0x85: {  	_ =	shalt  }
0x86: {  	_ =	shalt  }
0x87: {  	_ =	shalt  }
.Lfunc_end0:
.L_simem_size_0:
called_computation.1_lowered:
.L_overlay_start_0:
0x88: {  	s2 =	sld [smem:$0x3FD9]  }
0x89: {  	s3 =	sld [smem:$0x3FFE];
	_ =	sdelay $0x1  }
0x8a: {  	s1 =	srdreg.scid  }
0x8b: {  	s0 =	sand.u32 $0x1, s1  }
0x8c: {  	s17 =	sshll.u32 s0, $0xA;
	s2 =	sadd.s32 s3, s2  }
0x8d: {  	s2 =	sadd.s32 s2, s17  }
0x8e: {  	[smem:$0x3FC2] =	sst s2  }
0x8f: {  	_ = 	snop  }
0x90: {  	s2 =	sld [smem:$0x3FD0];
	(tm) =	ssettm $0x1  }
0x91: {  	s18 =	sld [smem:$0x3FFB];
	_ =	sdelay $0x3  }
0x92: {  	_ =	strace s18  }
0x93: {  	s3 =	sld [smem:$0x3FFC];
	_ =	sdelay $0x3  }
0x94: {  	_ =	strace s3  }
0x95: {  	s3 =	sld [smem:$0x3FFD];
	_ =	sdelay $0x3  }
0x96: {  	_ =	strace s3  }
0x97: {  	_ =	strace $0x8FFFFFFF  }
0x98: {  	s19 =	sld [smem:$0x3FDB];
	_ =	sdelay $0x1  }
0x99: {  	s4 =	simm.s32 $_scs_section_size  }
0x9a: {  	s5 =	simm.s32 $_size__tile_overlayer_lowered;
	s6 =	simm.s32 $_tile_overlayer_lowered  }
0x9b: {  	s22 =	simm.s32 $0x1BFF;
	s21 =	sshll.u32 s6, $0x1;
	s3 =	sadd.s32 s4, s19  }
0x9c: {  	s7 =	simm.s32 $0x0;
	s20 =	sshll.u32 s5, $0x1;
	s5 =	sadd.s32 s21, s3  }
0x9d: {  	[timem:s7], [sflag:s22] =	dma.local [hbm:s5], s20  }
0x9e: {  	_ =	swait.ge [sflag:s22], s20  }
0x9f: {  	s4 =	ssub.s32 $0x0, s20;
	[sflag:s22] =	ssyncset.done $0x0  }
0xa0: {  	[sflag:s22] =	ssyncadd.s32 s4;
	_ =	sdelay $0x1  }
0xa1: {  	s23 =	simm.s32 $0x1B8B  }
0xa2: {  	_ =	swait.ge [sflag:s23], $0x1  }
0xa3: {  	[sflag:s23] =	ssyncset.done $0x0  }
0xa4: {  	s25 =	simm.s32 $0x1B8E;
	s24 =	sld [smem:$0x3FFE];
	[sflag:s23] =	ssyncadd.s32 $0xFFFFFFFF  }
0xa5: {  	s26 =	simm.s32 $execute0_lowered;
	[smem:$0x3FD2] =	sst s25  }
0xa6: {  	s5 =	sshll.u32 s26, $0x1;
	_ =	strace $0x80000049;
	[dreg:$0x1] =	wrdreg $0xFFFFFFFF  }
0xa7: {  	s28 =	simm.s32 $_size_execute0_lowered;
	s3 =	sadd.s32 s3, s5;
	[dreg:$0x0] =	wrdreg $0x0  }
0xa8: {  	s5 =	sshll.u32 s28, $0x1;
	[dreg:$0x2] =	wrdreg s3  }
0xa9: {  	[dreg:$0x3] =	wrdreg s5  }
0xaa: {  	[dreg:$0x4] =	wrdreg $0xC0  }
0xab: {  	_ =	task [dreg:s7], $0x5FFFF  }
0xac: {  	[dreg:$0x1] =	wrdreg $0xFFFFFFFF  }
0xad: {  	[dreg:$0x0] =	wrdreg $0x60  }
0xae: {  	[dreg:$0x2] =	wrdreg s2  }
0xaf: {  	[dreg:$0x3] =	wrdreg s24  }
0xb0: {  	[dreg:$0x4] =	wrdreg $0xA8000  }
0xb1: {  	[dreg:$0x5] =	wrdreg $0x9  }
0xb2: {  	_ =	task.clear_ibuf [dreg:s7], $0x6FFFF;
	_ =	strace $0x90000049  }
0xb3: {  	s29 =	simm.s32 $0x9;
	_ =	strace $0x8000004B  }
0xb4: {  	_ =	swait.ge [sflag:s29], $0x1  }
0xb5: {  	[sflag:s29] =	ssyncadd.s32 $0xFFFFFFFF  }
0xb6: {  	_ =	strace $0x9000004B  }
0xb7: {  	_ =	sfence  }
0xb8: {  	s30 =	sld [smem:$0x0];
	_ =	sdelay $0x2  }
0xb9: {  	s31 =	sshll.u32 s1, $0xD;
	s1 =	sshrl.u32 s1, $0x2  }
0xba: {  	s3 =	sand.u32 $0x4000, s31;
	s1 =	sadd.s32 s1, s30  }
0xbb: {  	s0 =	sor.u32 s3, s0;
	s1 =	sshll.u32 s1, $0x11  }
0xbc: {  	s0 =	sor.u32 s1, s0  }
0xbd: {  	s0 =	sadd.s32 $0x8F2B, s0  }
0xbe: {  	[sflag:s0] =	ssyncadd.remote.s32 $0x1  }
0xbf: {  	_ =	sfence.sel $0xFFFF  }
0xc0: {  	[dreg:$0x0] =	wrdreg $0xFFFFFFFF;
	(pc) =	sbr.abs _section_cstart, $3  }
0xc1: {  	[dreg:$0x1] =	wrdreg $0xFFFFFFFF  }
0xc2: {  	_ =	task.clear_ibuf [dreg:s7], $0x2FFFF;
	_ =	strace $0x9FFFFFFF  }
0xc3: {  	(tm) =	ssettm $0x7FFFFFFF  }
tec
execute0_lowered:
.L_overlay_start_1:
0x0: {  	(tag) =	ssettag $0x1  }
0x1: {  	s1 =	rddreg [dreg:$0x0]  }
0x2: {  	s5 =	rddreg [dreg:$0x1]  }
0x3: {  	s2 =	rddreg [dreg:$0x2]  }
0x4: {  	s3 =	srdreg.scid;
	s0 =	rddreg [dreg:$0x3];
	s4 =	simm.s32 $0x0  }
0x5: {  	s17 =	simm.s32 $0x8000;
	s18 =	simm.s32 $0x2;
	s19 =	simm.s32 $0x4000  }
0x6: {  	s20 =	simm.s32 $0x50;
	s21 =	simm.s32 $0x1;
	s6 =	sand.u32 $0x1, s3  }
0x7: {  	s22 =	simm.s32 $0x0;
	s3 =	stileid.u32;
	s7 =	smul.u32 $0x140000, s6  }
0x8: {  	[smem:$0x7FF] =	sst s4;
	s8 =	sshll.u32 s6, $0xF;
	s10 =	smul.u32 $0x14000, s3  }
0x9: {  	s9 =	sshll.u32 s3, $0xB;
	s29 =	smul.u32 $0x50000, s3;
	s6 =	ssub.s32 $0x2, s6  }
0xa: {  	_ =	strace $0x8000004A;
	s8 =	sor.u32 s9, s8;
	s31 =	sshrl.u32 s6, $0x1  }
0xb: {  	s14 =	sadd.s32 s8, s5;
	s7 =	sadd.s32 s10, s7;
	s30 =	sshrl.u32 s29, $0x2  }
0xc: {  	s16 =	ssub.s32 s6, s31;
	s7 =	sshrl.u32 s7, $0x3;
	s13 =	sadd.s32 $0x63400, s14  }
0xd: {  	s14 =	sadd.s32 $0x3400, s14;
	s15 =	sadd.s32 s7, s5;
	s5 =	sadd.s32 s30, s2  }
0xe: {  	s16 =	smax.u32 s16, $0x1;
	s6 =	sadd.s32 $0x2800, s5;
	s7 =	sadd.s32 $0x5000, s5  }
0xf: {  	s8 =	sadd.s32 $0x7800, s5;
	s9 =	sadd.s32 $0xA000, s5;
	s10 =	sadd.s32 $0xC800, s5  }
0x10: {  	v0 =	vimm.f32 $0.0e+00;
	s11 =	sadd.s32 $0xF000, s5;
	s12 =	sadd.s32 $0x11800, s5;
	s15 =	sadd.s32 $0x73400, s15  }
.LBB2_1:
0x11: {  	s23 =	sand.u32 $0xFE00, s4  }
0x12: {  	s24 =	sand.u32 $0x70, s4;
	s25 =	sshrl.u32 s23, $0x2  }
0x13: {  	s23 =	simm.s32 $0x40;
	s25 =	sor.u32 s24, s25;
	s24 =	simm.s32 $0x0  }
.LBB2_2:
0x14: {  	p0 =	sne.s32 s23, $0x9FC0  }
0x15: {  	[tilespmem:s25+$0x8000] =	vst v0;
	s24 =	sadd.s32 $0x10, s24;
	s25 =	smov.u32 s23;
	s23 =	sadd.s32 $0x40, s23  }
.Ltmp0:
0x16: {  	(pc) =	sbr.rel @p0 .LBB2_2-.Ltmp0, $4  }
0x17: {  	_ = 	snop  }
0x18: {  	s25 =	sand.u32 $0xFE00, s25  }
0x19: {  	s26 =	sand.u32 $0x70, s24;
	s25 =	sshrl.u32 s25, $0x2  }
0x1a: {  	s25 =	sor.u32 s26, s25  }
0x1b: {  	[tilespmem:s25+$0x8000] =	vst v0  }
0x1c: {  	[spmem:s5] =	stream.linear.scatter [tilespmem:s17], [sflag:$0x2], $0x2800, $0x38;
	[tilespmem:$0x1E800] =	vst v63  }
0x1d: {  	_ =	swait.ge [sflag:s18], $0x2800  }
0x1e: {  	[sflag:s18] =	ssyncset.done $0x0  }
0x1f: {  	[sflag:s18] =	ssyncadd.s32 $0xFFFFD800  }
0x20: {  	[spmem:s6] =	stream.linear.scatter [tilespmem:s17], [sflag:$0x2], $0x2800, $0x38;
	[tilespmem:$0x1E800] =	vst v63  }
0x21: {  	_ =	swait.ge [sflag:s18], $0x2800  }
0x22: {  	[sflag:s18] =	ssyncset.done $0x0  }
0x23: {  	[sflag:s18] =	ssyncadd.s32 $0xFFFFD800  }
0x24: {  	[spmem:s7] =	stream.linear.scatter [tilespmem:s17], [sflag:$0x2], $0x2800, $0x38;
	[tilespmem:$0x1E800] =	vst v63  }
0x25: {  	_ =	swait.ge [sflag:s18], $0x2800  }
0x26: {  	[sflag:s18] =	ssyncset.done $0x0  }
0x27: {  	[sflag:s18] =	ssyncadd.s32 $0xFFFFD800  }
0x28: {  	[spmem:s8] =	stream.linear.scatter [tilespmem:s17], [sflag:$0x2], $0x2800, $0x38;
	[tilespmem:$0x1E800] =	vst v63  }
0x29: {  	_ =	swait.ge [sflag:s18], $0x2800  }
0x2a: {  	[sflag:s18] =	ssyncset.done $0x0  }
0x2b: {  	[sflag:s18] =	ssyncadd.s32 $0xFFFFD800  }
0x2c: {  	[spmem:s9] =	stream.linear.scatter [tilespmem:s17], [sflag:$0x2], $0x2800, $0x38;
	[tilespmem:$0x1E800] =	vst v63  }
0x2d: {  	_ =	swait.ge [sflag:s18], $0x2800  }
0x2e: {  	[sflag:s18] =	ssyncset.done $0x0  }
0x2f: {  	[sflag:s18] =	ssyncadd.s32 $0xFFFFD800  }
0x30: {  	[spmem:s10] =	stream.linear.scatter [tilespmem:s17], [sflag:$0x2], $0x2800, $0x38;
	[tilespmem:$0x1E800] =	vst v63  }
0x31: {  	_ =	swait.ge [sflag:s18], $0x2800  }
0x32: {  	[sflag:s18] =	ssyncset.done $0x0  }
0x33: {  	[sflag:s18] =	ssyncadd.s32 $0xFFFFD800  }
0x34: {  	[spmem:s11] =	stream.linear.scatter [tilespmem:s17], [sflag:$0x2], $0x2800, $0x38;
	[tilespmem:$0x1E800] =	vst v63  }
0x35: {  	_ =	swait.ge [sflag:s18], $0x2800  }
0x36: {  	[sflag:s18] =	ssyncset.done $0x0  }
0x37: {  	[sflag:s18] =	ssyncadd.s32 $0xFFFFD800  }
0x38: {  	[spmem:s12] =	stream.linear.scatter [tilespmem:s17], [sflag:$0x2], $0x2800, $0x38;
	[tilespmem:$0x1E800] =	vst v63  }
0x39: {  	_ =	swait.ge [sflag:s18], $0x2800  }
0x3a: {  	[sflag:s18] =	ssyncset.done $0x0  }
0x3b: {  	s23 =	simm.s32 $0x0;
	[sflag:s18] =	ssyncadd.s32 $0xFFFFD800  }
0x3c: {  	[tilespmem:s23], [sflag:$0x2] =	stream.linear.gather [hbm4b:s13+s23], $0x3E80, $0x38;
	[tilespmem:$0x1E800] =	vst v63  }
0x3d: {  	_ =	swait.ge [sflag:s18], $0x3E80  }
0x3e: {  	[sflag:s18] =	ssyncset.done $0x0  }
0x3f: {  	[sflag:s18] =	ssyncadd.s32 $0xFFFFC180  }
0x40: {  	[tilespmem:s19], [sflag:$0x2] =	stream.linear.gather [hbm4b:s14+s23], $0x3E80, $0x38;
	[tilespmem:$0x1E800] =	vst v63  }
0x41: {  	_ =	swait.ge [sflag:s18], $0x3E80  }
0x42: {  	[sflag:s18] =	ssyncset.done $0x0  }
0x43: {  	[sflag:s18] =	ssyncadd.s32 $0xFFFFC180  }
0x44: {  	s30 =	simm.s32 $0x0;
	[bflag:$0x0] =	sbarrier.arrive $0xFFFF  }
0x45: {  	[tilespmem:s17], [sflag:$0x1] =	stream.indirect.gather [hbm4b:s1+s20], $0x80, s30, s20, $0xb8;
	[tilespmem:$0x1E800] =	vst v63  }
0x46: {  	_ =	swait.ge [sflag:s21], $0x2800  }
0x47: {  	[sflag:s21] =	ssyncset.done $0x0  }
0x48: {  	s31 =	simm.s32 $0x4000;
	[sflag:s21] =	ssyncadd.s32 $0xFFFFD800  }
0x49: {  	[spmem:s2] =	stream.indirect.scatter.add.f32 [tilespmem:s17], [sflag:$0x2], $0x80, s31, s20, $0xb8;
	[tilespmem:$0x1E800] =	vst v63  }
0x4a: {  	_ =	swait.ge [sflag:s18], $0x2800  }
0x4b: {  	s24 =	simm.s32 $0x400;
	s23 =	simm.s32 $0x200;
	[sflag:s18] =	ssyncset.done $0x0  }
.LBB2_4:
0x4c: {  	s25 =	sshra.s32 s23, $0x2  }
0x4d: {  	[sflag:s18] =	ssyncadd.s32 $0xFFFFD800;
	s23 =	smov.u32 s24;
	s26 =	sadd.s32 $0x200, s24  }
0x4e: {  	[tilespmem:s17], [sflag:$0x1] =	stream.indirect.gather [hbm4b:s1+s20], $0x80, s25, s20, $0xb8;
	[tilespmem:$0x1E800] =	vst v63  }
0x4f: {  	p0 =	sne.s32 s24, $0xF800;
	_ =	swait.ge [sflag:s21], $0x2800  }
.Ltmp1:
0x50: {  	[sflag:s21] =	ssyncset.done $0x0;
	(pc) =	sbr.rel @p0 .LBB2_4-.Ltmp1, $4  }
0x51: {  	s24 =	sadd.s32 $0x4000, s25;
	[sflag:s21] =	ssyncadd.s32 $0xFFFFD800  }
0x52: {  	[spmem:s2] =	stream.indirect.scatter.add.f32 [tilespmem:s17], [sflag:$0x2], $0x80, s24, s20, $0xb8;
	[tilespmem:$0x1E800] =	vst v63  }
0x53: {  	_ =	swait.ge [sflag:s18], $0x2800  }
0x54: {  	s24 =	smov.u32 s26;
	[sflag:s18] =	ssyncset.done $0x0  }
0x55: {  	s23 =	sshra.s32 s23, $0x2;
	[sflag:s18] =	ssyncadd.s32 $0xFFFFD800  }
0x56: {  	[tilespmem:s17], [sflag:$0x1] =	stream.indirect.gather [hbm4b:s1+s20], $0x80, s23, s20, $0xb8;
	[tilespmem:$0x1E800] =	vst v63  }
0x57: {  	_ =	swait.ge [sflag:s21], $0x2800  }
0x58: {  	[sflag:s21] =	ssyncset.done $0x0  }
0x59: {  	s23 =	sadd.s32 $0x4000, s23;
	[sflag:s21] =	ssyncadd.s32 $0xFFFFD800  }
0x5a: {  	[spmem:s2] =	stream.indirect.scatter.add.f32 [tilespmem:s17], [sflag:$0x2], $0x80, s23, s20, $0xb8;
	[tilespmem:$0x1E800] =	vst v63  }
0x5b: {  	_ =	swait.ge [sflag:s18], $0x2800  }
0x5c: {  	s31 =	sshll.u32 s3, $0x6;
	s22 =	sadd.s32 $0x1, s22;
	[sflag:s18] =	ssyncset.done $0x0  }
0x5d: {  	s24 =	sshrl.u32 s5, $0x3;
	p0 =	sne.s32 s22, s16;
	[sflag:s18] =	ssyncadd.s32 $0xFFFFD800  }
.Ltmp2:
0x5e: {  	s23 =	sor.u32 $0x1C02, s31;
	[bflag:$0x0] =	sbarrier.arrive $0xFFFF;
	(pc) =	sbr.rel @p0 .LBB2_1-.Ltmp2, $4  }
0x5f: {  	[hbm:s15], [sflag:s23] =	dma.local [spmem:s24], $0x2800  }
0x60: {  	_ =	swait.ge [sflag:s18], $0x2800  }
0x61: {  	[sflag:s18] =	ssyncset.done $0x0  }
0x62: {  	[sflag:s18] =	ssyncadd.s32 $0xFFFFD800  }
0x63: {  	_ =	sfence.sel $0x180000  }
0x64: {  	[bflag:$0x0] =	sbarrier.arrive $0xFFFF  }
0x65: {  	p0 =	sne.s32 s3, $0x0;
	_ =	strace $0x9000004A  }
0x66: {  	s0 =	sadd.s32 @!p0 $0x100000, s0;
	[bflag:$0x2] =	sbarrier.arrive $0xFFFF  }
0x67: {  	[sflag:s0] =	ssyncadd.tile.s32 @!p0 $0x1;
	_ =	shalt  }
.Lfunc_end2:
_tile_overlayer_lowered:
.L_overlay_start_2:
0x68: {  	(tag) =	ssettag $0x2  }
0x69: {  	s0 =	rddreg [dreg:$0x0];
	s2 =	stileid.u32  }
0x6a: {  	s1 =	rddreg [dreg:$0x1];
	p0 =	sne.s32 s2, $0x0  }
0x6b: {  	s3 =	rddreg [dreg:$0x2];
	[bflag:$0x3] =	sbarrier.arrive $0xFFFF;
	s2 =	simm.s32 @!p0 $0x1C02  }
0x6c: {  	[timem:s3], [sflag:s2] =	dma.local @!p0 [hbm:s0], s1  }
0x6d: {  	s0 =	simm.s32 @!p0 $0x2  }
0x6e: {  	_ =	swait.ge @!p0 [sflag:s0], s1  }
0x6f: {  	s1 =	ssub.s32 @!p0 $0x0, s1;
	[sflag:s0] =	ssyncset.done @!p0 $0x0  }
0x70: {  	[sflag:s0] =	ssyncadd.s32 @!p0 s1  }
0x71: {  	[bflag:$0x3] =	sbarrier.arrive $0xFFFF  }
0x72: {  	_ =	shalt  }

// kernel: kernel.14.cloned.1.call-start
scs
__scs_entry_jumppad:
0x0: {  	(pc) =	sbr.rel $0x88, $3  }
0x1: {  	(tag) =	ssettag $0x0;
	lr =	simm.s32 $0x1  }
0x2: {  	[smem:$0x3F9B] =	sst lr;
	_ =	strace $0xD0000000  }
0x3: {  	_ = 	snop  }
0x4: {  	_ = 	snop  }
0x5: {  	_ = 	snop  }
0x6: {  	_ = 	snop  }
0x7: {  	_ = 	snop  }
__scs_overlays_trampoline_lowered:
0x8: {  	[smem:$0x3FAA] =	sst s0  }
0x9: {  	[smem:$0x3FAB] =	sst s1  }
0xa: {  	[smem:$0x3FAC] =	sst s2  }
0xb: {  	[smem:$0x3FAD] =	sst s3  }
0xc: {  	[smem:$0x3FAE] =	sst s4  }
0xd: {  	[smem:$0x3FAF] =	sst s5  }
0xe: {  	[smem:$0x3FB0] =	sst s6  }
0xf: {  	[smem:$0x3FB1] =	sst s7  }
0x10: {  	[smem:$0x3FB2] =	sst s8  }
0x11: {  	[smem:$0x3FB3] =	sst s9;
	s0 =	simm.s32 @!p0 $0x0  }
0x12: {  	s1 =	sld [smem:$0x3F99];
	s0 =	simm.s32 @p0 $0x1  }
0x13: {  	[smem:$0x3FB4] =	sst s0;
	s0 =	simm.s32 @!p1 $0x0  }
0x14: {  	s2 =	sld [smem:$0x3F98];
	s0 =	simm.s32 @p1 $0x1  }
0x15: {  	[smem:$0x3FB5] =	sst s0;
	s0 =	simm.s32 @!p2 $0x0  }
0x16: {  	s3 =	sld [smem:$0x3FDB];
	s0 =	simm.s32 @p2 $0x1  }
0x17: {  	s4 =	simm.s32 $0x1BF5;
	[smem:$0x3FB7] =	sst s0  }
0x18: {  	s0 =	sld [smem:$0x3F9A];
	_ =	swait.ge [sflag:s4], $0x0  }
0x19: {  	s7 =	sld [smem:$0x3F9B]  }
0x1a: {  	s8 =	sadd.s32 $0xFFFFE003, lr  }
0x1b: {  	s9 =	sadd.s32 $0xFFFFFEF7, lr;
	s5 =	simm.s32 $0xFFFFFFFF;
	p2 =	slt.u32 s8, $0xFFFFF086  }
0x1c: {  	p1 =	slt.u32 s9, $0xF7A;
	s5 =	simm.s32 @!p2 $0x0  }
0x1d: {  	s5 =	simm.s32 @p1 $0x1;
	p0 =	seq.s32 s7, s2  }
0x1e: {  	s7 =	smul.u32 @!p0 $0xF7A, s2;
	p2 =	seq.s32 @!p0 s5, $0x0  }
0x1f: {  	s9 =	smul.u32 $0xF7A, s1;
	s8 =	simm.s32 @!p0 $0x1BF5;
	p2 =	por !p2, p0  }
0x20: {  	[sflag:s8] =	ssyncset.s32 @!p0 $0xFFFFF086;
	s6 =	sadd.s32 @!p0 s3, s7;
	s7 =	simm.s32 @!p0 $0x108  }
0x21: {  	s3 =	sadd.s32 s3, s9;
	s6 =	sadd.s32 @!p0 $0x88, s6;
	s7 =	simm.s32 @p2 $0x1082  }
0x22: {  	[simem:s7], [sflag:s8] =	dma.local @!p0 [hbm:s6], $0xF7A  }
0x23: {  	s9 =	sor.u32 $0xD0000000, s2;
	s6 =	simm.s32 $0x108;
	_ =	swait.ge @!p0 [sflag:s8], $0x0  }
0x24: {  	s3 =	sadd.s32 $0x88, s3;
	s6 =	simm.s32 @!p1 $0x1082;
	[sflag:s4] =	ssyncset.s32 $0xFFFFF086  }
0x25: {  	[simem:s6], [sflag:s4] =	dma.local [hbm:s3], $0xF7A  }
0x26: {  	[smem:$0x3F9B] =	sst s1;
	(tag) =	ssettag s2;
	_ =	strace s9  }
0x27: {  	s1 =	sld [smem:$0x3FAB]  }
0x28: {  	s2 =	sld [smem:$0x3FAC]  }
0x29: {  	s4 =	sld [smem:$0x3FAE]  }
0x2a: {  	p0 =	seq.s32 s5, $0x0;
	s5 =	sld [smem:$0x3FAF]  }
0x2b: {  	s6 =	sld [smem:$0x3FB0]  }
0x2c: {  	s7 =	sld [smem:$0x3FB1]  }
0x2d: {  	s3 =	simm.s32 $0x108;
	s8 =	sld [smem:$0x3FB2]  }
0x2e: {  	s3 =	simm.s32 @!p0 $0x1082;
	s9 =	sld [smem:$0x3FB3]  }
0x2f: {  	lr =	sadd.s32 s0, s3;
	s0 =	sld [smem:$0x3FAA]  }
0x30: {  	s3 =	sld [smem:$0x3FAD]  }
0x31: {  	[smem:$0x3FB6] =	sst s10  }
0x32: {  	s10 =	sld [smem:$0x3FB4];
	_ =	sdelay $0x3  }
0x33: {  	p0 =	seq.s32 s10, $0x1;
	s10 =	sld [smem:$0x3FB6];
	_ =	sdelay $0x3  }
0x34: {  	[smem:$0x3FB6] =	sst s10  }
0x35: {  	s10 =	sld [smem:$0x3FB5];
	_ =	sdelay $0x3  }
0x36: {  	p1 =	seq.s32 s10, $0x1;
	s10 =	sld [smem:$0x3FB6];
	_ =	sdelay $0x3  }
0x37: {  	[smem:$0x3FB6] =	sst s10  }
0x38: {  	s10 =	sld [smem:$0x3FB7]  }
0x39: {  	_ = 	snop;
	(pc) =	sbr.ind lr, $3  }
0x3a: {  	_ = 	snop  }
0x3b: {  	_ = 	snop  }
0x3c: {  	p2 =	seq.s32 s10, $0x1;
	s10 =	sld [smem:$0x3FB6]  }
0x3d: {  	_ =	shalt  }
0x3e: {  	_ =	shalt  }
0x3f: {  	_ =	shalt  }
0x40: {  	_ =	shalt  }
0x41: {  	_ =	shalt  }
0x42: {  	_ =	shalt  }
0x43: {  	_ =	shalt  }
0x44: {  	_ =	shalt  }
0x45: {  	_ =	shalt  }
0x46: {  	_ =	shalt  }
0x47: {  	_ =	shalt  }
0x48: {  	_ =	shalt  }
0x49: {  	_ =	shalt  }
0x4a: {  	_ =	shalt  }
0x4b: {  	_ =	shalt  }
0x4c: {  	_ =	shalt  }
0x4d: {  	_ =	shalt  }
0x4e: {  	_ =	shalt  }
0x4f: {  	_ =	shalt  }
0x50: {  	_ =	shalt  }
0x51: {  	_ =	shalt  }
0x52: {  	_ =	shalt  }
0x53: {  	_ =	shalt  }
0x54: {  	_ =	shalt  }
0x55: {  	_ =	shalt  }
0x56: {  	_ =	shalt  }
0x57: {  	_ =	shalt  }
0x58: {  	_ =	shalt  }
0x59: {  	_ =	shalt  }
0x5a: {  	_ =	shalt  }
0x5b: {  	_ =	shalt  }
0x5c: {  	_ =	shalt  }
0x5d: {  	_ =	shalt  }
0x5e: {  	_ =	shalt  }
0x5f: {  	_ =	shalt  }
0x60: {  	_ =	shalt  }
0x61: {  	_ =	shalt  }
0x62: {  	_ =	shalt  }
0x63: {  	_ =	shalt  }
0x64: {  	_ =	shalt  }
0x65: {  	_ =	shalt  }
0x66: {  	_ =	shalt  }
0x67: {  	_ =	shalt  }
0x68: {  	_ =	shalt  }
0x69: {  	_ =	shalt  }
0x6a: {  	_ =	shalt  }
0x6b: {  	_ =	shalt  }
0x6c: {  	_ =	shalt  }
0x6d: {  	_ =	shalt  }
0x6e: {  	_ =	shalt  }
0x6f: {  	_ =	shalt  }
0x70: {  	_ =	shalt  }
0x71: {  	_ =	shalt  }
0x72: {  	_ =	shalt  }
0x73: {  	_ =	shalt  }
0x74: {  	_ =	shalt  }
0x75: {  	_ =	shalt  }
0x76: {  	_ =	shalt  }
0x77: {  	_ =	shalt  }
0x78: {  	_ =	shalt  }
0x79: {  	_ =	shalt  }
0x7a: {  	_ =	shalt  }
0x7b: {  	_ =	shalt  }
0x7c: {  	_ =	shalt  }
0x7d: {  	_ =	shalt  }
0x7e: {  	_ =	shalt  }
0x7f: {  	_ =	shalt  }
0x80: {  	_ =	shalt  }
0x81: {  	_ =	shalt  }
0x82: {  	_ =	shalt  }
0x83: {  	_ =	shalt  }
0x84: {  	_ =	shalt  }
0x85: {  	_ =	shalt  }
0x86: {  	_ =	shalt  }
0x87: {  	_ =	shalt  }
.Lfunc_end0:
.L_simem_size_0:
called_computation.2_lowered:
.L_overlay_start_0:
0x88: {  	s2 =	sld [smem:$0x3FD9]  }
0x89: {  	s3 =	sld [smem:$0x3FFE];
	_ =	sdelay $0x1  }
0x8a: {  	s1 =	srdreg.scid  }
0x8b: {  	s0 =	sand.u32 $0x1, s1  }
0x8c: {  	s17 =	sshll.u32 s0, $0xA;
	s2 =	sadd.s32 s3, s2  }
0x8d: {  	s2 =	sadd.s32 s2, s17  }
0x8e: {  	[smem:$0x3FC2] =	sst s2  }
0x8f: {  	_ = 	snop  }
0x90: {  	s2 =	sld [smem:$0x3FD0];
	(tm) =	ssettm $0x1  }
0x91: {  	s18 =	sld [smem:$0x3FFB];
	_ =	sdelay $0x3  }
0x92: {  	_ =	strace s18  }
0x93: {  	s3 =	sld [smem:$0x3FFC];
	_ =	sdelay $0x3  }
0x94: {  	_ =	strace s3  }
0x95: {  	s3 =	sld [smem:$0x3FFD];
	_ =	sdelay $0x3  }
0x96: {  	_ =	strace s3  }
0x97: {  	_ =	strace $0x8FFFFFFF  }
0x98: {  	s19 =	sld [smem:$0x3FDB];
	_ =	sdelay $0x1  }
0x99: {  	s4 =	simm.s32 $_scs_section_size  }
0x9a: {  	s5 =	simm.s32 $_size__tile_overlayer_lowered;
	s6 =	simm.s32 $_tile_overlayer_lowered  }
0x9b: {  	s22 =	simm.s32 $0x1BFF;
	s21 =	sshll.u32 s6, $0x1;
	s3 =	sadd.s32 s4, s19  }
0x9c: {  	s7 =	simm.s32 $0x0;
	s20 =	sshll.u32 s5, $0x1;
	s5 =	sadd.s32 s21, s3  }
0x9d: {  	[timem:s7], [sflag:s22] =	dma.local [hbm:s5], s20  }
0x9e: {  	_ =	swait.ge [sflag:s22], s20  }
0x9f: {  	s4 =	ssub.s32 $0x0, s20;
	[sflag:s22] =	ssyncset.done $0x0  }
0xa0: {  	[sflag:s22] =	ssyncadd.s32 s4;
	_ =	sdelay $0x1  }
0xa1: {  	s23 =	simm.s32 $0x1B8B  }
0xa2: {  	_ =	swait.ge [sflag:s23], $0x1  }
0xa3: {  	[sflag:s23] =	ssyncset.done $0x0  }
0xa4: {  	s25 =	simm.s32 $0x1B8E;
	s24 =	sld [smem:$0x3FFE];
	[sflag:s23] =	ssyncadd.s32 $0xFFFFFFFF  }
0xa5: {  	s26 =	simm.s32 $execute0_lowered;
	[smem:$0x3FD2] =	sst s25  }
0xa6: {  	s5 =	sshll.u32 s26, $0x1;
	_ =	strace $0x8000004C;
	[dreg:$0x1] =	wrdreg $0xFFFFFFFF  }
0xa7: {  	s28 =	simm.s32 $_size_execute0_lowered;
	s3 =	sadd.s32 s3, s5;
	[dreg:$0x0] =	wrdreg $0x0  }
0xa8: {  	s5 =	sshll.u32 s28, $0x1;
	[dreg:$0x2] =	wrdreg s3  }
0xa9: {  	[dreg:$0x3] =	wrdreg s5  }
0xaa: {  	[dreg:$0x4] =	wrdreg $0xC0  }
0xab: {  	_ =	task [dreg:s7], $0x5FFFF  }
0xac: {  	[dreg:$0x1] =	wrdreg $0xFFFFFFFF  }
0xad: {  	[dreg:$0x0] =	wrdreg $0x60  }
0xae: {  	[dreg:$0x2] =	wrdreg s2  }
0xaf: {  	[dreg:$0x3] =	wrdreg s24  }
0xb0: {  	[dreg:$0x4] =	wrdreg $0xA8000  }
0xb1: {  	[dreg:$0x5] =	wrdreg $0x9  }
0xb2: {  	_ =	task.clear_ibuf [dreg:s7], $0x6FFFF;
	_ =	strace $0x9000004C  }
0xb3: {  	s29 =	simm.s32 $0x9;
	_ =	strace $0x8000004E  }
0xb4: {  	_ =	swait.ge [sflag:s29], $0x1  }
0xb5: {  	[sflag:s29] =	ssyncadd.s32 $0xFFFFFFFF  }
0xb6: {  	_ =	strace $0x9000004E  }
0xb7: {  	_ =	sfence  }
0xb8: {  	s30 =	sld [smem:$0x0];
	_ =	sdelay $0x2  }
0xb9: {  	s31 =	sshll.u32 s1, $0xD;
	s1 =	sshrl.u32 s1, $0x2  }
0xba: {  	s3 =	sand.u32 $0x4000, s31;
	s1 =	sadd.s32 s1, s30  }
0xbb: {  	s0 =	sor.u32 s3, s0;
	s1 =	sshll.u32 s1, $0x11  }
0xbc: {  	s0 =	sor.u32 s1, s0  }
0xbd: {  	s0 =	sadd.s32 $0x8F2B, s0  }
0xbe: {  	[sflag:s0] =	ssyncadd.remote.s32 $0x1  }
0xbf: {  	_ =	sfence.sel $0xFFFF  }
0xc0: {  	[dreg:$0x0] =	wrdreg $0xFFFFFFFF;
	(pc) =	sbr.abs _section_cstart, $3  }
0xc1: {  	[dreg:$0x1] =	wrdreg $0xFFFFFFFF  }
0xc2: {  	_ =	task.clear_ibuf [dreg:s7], $0x2FFFF;
	_ =	strace $0x9FFFFFFF  }
0xc3: {  	(tm) =	ssettm $0x7FFFFFFF  }
tec
execute0_lowered:
.L_overlay_start_1:
0x0: {  	(tag) =	ssettag $0x1  }
0x1: {  	s1 =	rddreg [dreg:$0x0]  }
0x2: {  	s5 =	rddreg [dreg:$0x1]  }
0x3: {  	s2 =	rddreg [dreg:$0x2]  }
0x4: {  	s3 =	srdreg.scid;
	s0 =	rddreg [dreg:$0x3];
	s4 =	simm.s32 $0x0  }
0x5: {  	s17 =	simm.s32 $0x8000;
	s18 =	simm.s32 $0x2;
	s19 =	simm.s32 $0x4000  }
0x6: {  	s20 =	simm.s32 $0x50;
	s21 =	simm.s32 $0x1;
	s6 =	sand.u32 $0x1, s3  }
0x7: {  	s22 =	simm.s32 $0x0;
	s3 =	stileid.u32;
	s7 =	smul.u32 $0x140000, s6  }
0x8: {  	[smem:$0x7FF] =	sst s4;
	s8 =	sshll.u32 s6, $0xF;
	s10 =	smul.u32 $0x14000, s3  }
0x9: {  	s9 =	sshll.u32 s3, $0xB;
	s29 =	smul.u32 $0x50000, s3;
	s6 =	ssub.s32 $0x2, s6  }
0xa: {  	_ =	strace $0x8000004D;
	s8 =	sor.u32 s9, s8;
	s31 =	sshrl.u32 s6, $0x1  }
0xb: {  	s14 =	sadd.s32 s8, s5;
	s7 =	sadd.s32 s10, s7;
	s30 =	sshrl.u32 s29, $0x2  }
0xc: {  	s16 =	ssub.s32 s6, s31;
	s7 =	sshrl.u32 s7, $0x3;
	s13 =	sadd.s32 $0x63400, s14  }
0xd: {  	s14 =	sadd.s32 $0x3400, s14;
	s15 =	sadd.s32 s7, s5;
	s5 =	sadd.s32 s30, s2  }
0xe: {  	s16 =	smax.u32 s16, $0x1;
	s6 =	sadd.s32 $0x2800, s5;
	s7 =	sadd.s32 $0x5000, s5  }
0xf: {  	s8 =	sadd.s32 $0x7800, s5;
	s9 =	sadd.s32 $0xA000, s5;
	s10 =	sadd.s32 $0xC800, s5  }
0x10: {  	v0 =	vimm.f32 $0.0e+00;
	s11 =	sadd.s32 $0xF000, s5;
	s12 =	sadd.s32 $0x11800, s5;
	s15 =	sadd.s32 $0x73400, s15  }
.LBB2_1:
0x11: {  	s23 =	sand.u32 $0xFE00, s4  }
0x12: {  	s24 =	sand.u32 $0x70, s4;
	s25 =	sshrl.u32 s23, $0x2  }
0x13: {  	s23 =	simm.s32 $0x40;
	s25 =	sor.u32 s24, s25;
	s24 =	simm.s32 $0x0  }
.LBB2_2:
0x14: {  	p0 =	sne.s32 s23, $0x9FC0  }
0x15: {  	[tilespmem:s25+$0x8000] =	vst v0;
	s24 =	sadd.s32 $0x10, s24;
	s25 =	smov.u32 s23;
	s23 =	sadd.s32 $0x40, s23  }
.Ltmp0:
0x16: {  	(pc) =	sbr.rel @p0 .LBB2_2-.Ltmp0, $4  }
0x17: {  	_ = 	snop  }
0x18: {  	s25 =	sand.u32 $0xFE00, s25  }
0x19: {  	s26 =	sand.u32 $0x70, s24;
	s25 =	sshrl.u32 s25, $0x2  }
0x1a: {  	s25 =	sor.u32 s26, s25  }
0x1b: {  	[tilespmem:s25+$0x8000] =	vst v0  }
0x1c: {  	[spmem:s5] =	stream.linear.scatter [tilespmem:s17], [sflag:$0x2], $0x2800, $0x38;
	[tilespmem:$0x1E800] =	vst v63  }
0x1d: {  	_ =	swait.ge [sflag:s18], $0x2800  }
0x1e: {  	[sflag:s18] =	ssyncset.done $0x0  }
0x1f: {  	[sflag:s18] =	ssyncadd.s32 $0xFFFFD800  }
0x20: {  	[spmem:s6] =	stream.linear.scatter [tilespmem:s17], [sflag:$0x2], $0x2800, $0x38;
	[tilespmem:$0x1E800] =	vst v63  }
0x21: {  	_ =	swait.ge [sflag:s18], $0x2800  }
0x22: {  	[sflag:s18] =	ssyncset.done $0x0  }
0x23: {  	[sflag:s18] =	ssyncadd.s32 $0xFFFFD800  }
0x24: {  	[spmem:s7] =	stream.linear.scatter [tilespmem:s17], [sflag:$0x2], $0x2800, $0x38;
	[tilespmem:$0x1E800] =	vst v63  }
0x25: {  	_ =	swait.ge [sflag:s18], $0x2800  }
0x26: {  	[sflag:s18] =	ssyncset.done $0x0  }
0x27: {  	[sflag:s18] =	ssyncadd.s32 $0xFFFFD800  }
0x28: {  	[spmem:s8] =	stream.linear.scatter [tilespmem:s17], [sflag:$0x2], $0x2800, $0x38;
	[tilespmem:$0x1E800] =	vst v63  }
0x29: {  	_ =	swait.ge [sflag:s18], $0x2800  }
0x2a: {  	[sflag:s18] =	ssyncset.done $0x0  }
0x2b: {  	[sflag:s18] =	ssyncadd.s32 $0xFFFFD800  }
0x2c: {  	[spmem:s9] =	stream.linear.scatter [tilespmem:s17], [sflag:$0x2], $0x2800, $0x38;
	[tilespmem:$0x1E800] =	vst v63  }
0x2d: {  	_ =	swait.ge [sflag:s18], $0x2800  }
0x2e: {  	[sflag:s18] =	ssyncset.done $0x0  }
0x2f: {  	[sflag:s18] =	ssyncadd.s32 $0xFFFFD800  }
0x30: {  	[spmem:s10] =	stream.linear.scatter [tilespmem:s17], [sflag:$0x2], $0x2800, $0x38;
	[tilespmem:$0x1E800] =	vst v63  }
0x31: {  	_ =	swait.ge [sflag:s18], $0x2800  }
0x32: {  	[sflag:s18] =	ssyncset.done $0x0  }
0x33: {  	[sflag:s18] =	ssyncadd.s32 $0xFFFFD800  }
0x34: {  	[spmem:s11] =	stream.linear.scatter [tilespmem:s17], [sflag:$0x2], $0x2800, $0x38;
	[tilespmem:$0x1E800] =	vst v63  }
0x35: {  	_ =	swait.ge [sflag:s18], $0x2800  }
0x36: {  	[sflag:s18] =	ssyncset.done $0x0  }
0x37: {  	[sflag:s18] =	ssyncadd.s32 $0xFFFFD800  }
0x38: {  	[spmem:s12] =	stream.linear.scatter [tilespmem:s17], [sflag:$0x2], $0x2800, $0x38;
	[tilespmem:$0x1E800] =	vst v63  }
0x39: {  	_ =	swait.ge [sflag:s18], $0x2800  }
0x3a: {  	[sflag:s18] =	ssyncset.done $0x0  }
0x3b: {  	s23 =	simm.s32 $0x0;
	[sflag:s18] =	ssyncadd.s32 $0xFFFFD800  }
0x3c: {  	[tilespmem:s23], [sflag:$0x2] =	stream.linear.gather [hbm4b:s13+s23], $0x3E80, $0x38;
	[tilespmem:$0x1E800] =	vst v63  }
0x3d: {  	_ =	swait.ge [sflag:s18], $0x3E80  }
0x3e: {  	[sflag:s18] =	ssyncset.done $0x0  }
0x3f: {  	[sflag:s18] =	ssyncadd.s32 $0xFFFFC180  }
0x40: {  	[tilespmem:s19], [sflag:$0x2] =	stream.linear.gather [hbm4b:s14+s23], $0x3E80, $0x38;
	[tilespmem:$0x1E800] =	vst v63  }
0x41: {  	_ =	swait.ge [sflag:s18], $0x3E80  }
0x42: {  	[sflag:s18] =	ssyncset.done $0x0  }
0x43: {  	[sflag:s18] =	ssyncadd.s32 $0xFFFFC180  }
0x44: {  	s30 =	simm.s32 $0x0;
	[bflag:$0x0] =	sbarrier.arrive $0xFFFF  }
0x45: {  	[tilespmem:s17], [sflag:$0x1] =	stream.indirect.gather [hbm4b:s1+s20], $0x80, s30, s20, $0xb8;
	[tilespmem:$0x1E800] =	vst v63  }
0x46: {  	_ =	swait.ge [sflag:s21], $0x2800  }
0x47: {  	[sflag:s21] =	ssyncset.done $0x0  }
0x48: {  	s31 =	simm.s32 $0x4000;
	[sflag:s21] =	ssyncadd.s32 $0xFFFFD800  }
0x49: {  	[spmem:s2] =	stream.indirect.scatter.add.f32 [tilespmem:s17], [sflag:$0x2], $0x80, s31, s20, $0xb8;
	[tilespmem:$0x1E800] =	vst v63  }
0x4a: {  	_ =	swait.ge [sflag:s18], $0x2800  }
0x4b: {  	s24 =	simm.s32 $0x400;
	s23 =	simm.s32 $0x200;
	[sflag:s18] =	ssyncset.done $0x0  }
.LBB2_4:
0x4c: {  	s25 =	sshra.s32 s23, $0x2  }
0x4d: {  	[sflag:s18] =	ssyncadd.s32 $0xFFFFD800;
	s23 =	smov.u32 s24;
	s26 =	sadd.s32 $0x200, s24  }
0x4e: {  	[tilespmem:s17], [sflag:$0x1] =	stream.indirect.gather [hbm4b:s1+s20], $0x80, s25, s20, $0xb8;
	[tilespmem:$0x1E800] =	vst v63  }
0x4f: {  	p0 =	sne.s32 s24, $0xF800;
	_ =	swait.ge [sflag:s21], $0x2800  }
.Ltmp1:
0x50: {  	[sflag:s21] =	ssyncset.done $0x0;
	(pc) =	sbr.rel @p0 .LBB2_4-.Ltmp1, $4  }
0x51: {  	s24 =	sadd.s32 $0x4000, s25;
	[sflag:s21] =	ssyncadd.s32 $0xFFFFD800  }
0x52: {  	[spmem:s2] =	stream.indirect.scatter.add.f32 [tilespmem:s17], [sflag:$0x2], $0x80, s24, s20, $0xb8;
	[tilespmem:$0x1E800] =	vst v63  }
0x53: {  	_ =	swait.ge [sflag:s18], $0x2800  }
0x54: {  	s24 =	smov.u32 s26;
	[sflag:s18] =	ssyncset.done $0x0  }
0x55: {  	s23 =	sshra.s32 s23, $0x2;
	[sflag:s18] =	ssyncadd.s32 $0xFFFFD800  }
0x56: {  	[tilespmem:s17], [sflag:$0x1] =	stream.indirect.gather [hbm4b:s1+s20], $0x80, s23, s20, $0xb8;
	[tilespmem:$0x1E800] =	vst v63  }
0x57: {  	_ =	swait.ge [sflag:s21], $0x2800  }
0x58: {  	[sflag:s21] =	ssyncset.done $0x0  }
0x59: {  	s23 =	sadd.s32 $0x4000, s23;
	[sflag:s21] =	ssyncadd.s32 $0xFFFFD800  }
0x5a: {  	[spmem:s2] =	stream.indirect.scatter.add.f32 [tilespmem:s17], [sflag:$0x2], $0x80, s23, s20, $0xb8;
	[tilespmem:$0x1E800] =	vst v63  }
0x5b: {  	_ =	swait.ge [sflag:s18], $0x2800  }
0x5c: {  	s31 =	sshll.u32 s3, $0x6;
	s22 =	sadd.s32 $0x1, s22;
	[sflag:s18] =	ssyncset.done $0x0  }
0x5d: {  	s24 =	sshrl.u32 s5, $0x3;
	p0 =	sne.s32 s22, s16;
	[sflag:s18] =	ssyncadd.s32 $0xFFFFD800  }
.Ltmp2:
0x5e: {  	s23 =	sor.u32 $0x1C02, s31;
	[bflag:$0x0] =	sbarrier.arrive $0xFFFF;
	(pc) =	sbr.rel @p0 .LBB2_1-.Ltmp2, $4  }
0x5f: {  	[hbm:s15], [sflag:s23] =	dma.local [spmem:s24], $0x2800  }
0x60: {  	_ =	swait.ge [sflag:s18], $0x2800  }
0x61: {  	[sflag:s18] =	ssyncset.done $0x0  }
0x62: {  	[sflag:s18] =	ssyncadd.s32 $0xFFFFD800  }
0x63: {  	_ =	sfence.sel $0x180000  }
0x64: {  	[bflag:$0x0] =	sbarrier.arrive $0xFFFF  }
0x65: {  	p0 =	sne.s32 s3, $0x0;
	_ =	strace $0x9000004D  }
0x66: {  	s0 =	sadd.s32 @!p0 $0x100000, s0;
	[bflag:$0x2] =	sbarrier.arrive $0xFFFF  }
0x67: {  	[sflag:s0] =	ssyncadd.tile.s32 @!p0 $0x1;
	_ =	shalt  }
.Lfunc_end2:
_tile_overlayer_lowered:
.L_overlay_start_2:
0x68: {  	(tag) =	ssettag $0x2  }
0x69: {  	s0 =	rddreg [dreg:$0x0];
	s2 =	stileid.u32  }
0x6a: {  	s1 =	rddreg [dreg:$0x1];
	p0 =	sne.s32 s2, $0x0  }
0x6b: {  	s3 =	rddreg [dreg:$0x2];
	[bflag:$0x3] =	sbarrier.arrive $0xFFFF;
	s2 =	simm.s32 @!p0 $0x1C02  }
0x6c: {  	[timem:s3], [sflag:s2] =	dma.local @!p0 [hbm:s0], s1  }
0x6d: {  	s0 =	simm.s32 @!p0 $0x2  }
0x6e: {  	_ =	swait.ge @!p0 [sflag:s0], s1  }
0x6f: {  	s1 =	ssub.s32 @!p0 $0x0, s1;
	[sflag:s0] =	ssyncset.done @!p0 $0x0  }
0x70: {  	[sflag:s0] =	ssyncadd.s32 @!p0 s1  }
0x71: {  	[bflag:$0x3] =	sbarrier.arrive $0xFFFF  }
0x72: {  	_ =	shalt  }

// kernel: kernel.8.cloned.1.call-start
scs
__scs_entry_jumppad:
0x0: {  	(pc) =	sbr.rel $0x88, $3  }
0x1: {  	(tag) =	ssettag $0x0;
	lr =	simm.s32 $0x1  }
0x2: {  	[smem:$0x3F9B] =	sst lr;
	_ =	strace $0xD0000000  }
0x3: {  	_ = 	snop  }
0x4: {  	_ = 	snop  }
0x5: {  	_ = 	snop  }
0x6: {  	_ = 	snop  }
0x7: {  	_ = 	snop  }
__scs_overlays_trampoline_lowered:
0x8: {  	[smem:$0x3FAA] =	sst s0  }
0x9: {  	[smem:$0x3FAB] =	sst s1  }
0xa: {  	[smem:$0x3FAC] =	sst s2  }
0xb: {  	[smem:$0x3FAD] =	sst s3  }
0xc: {  	[smem:$0x3FAE] =	sst s4  }
0xd: {  	[smem:$0x3FAF] =	sst s5  }
0xe: {  	[smem:$0x3FB0] =	sst s6  }
0xf: {  	[smem:$0x3FB1] =	sst s7  }
0x10: {  	[smem:$0x3FB2] =	sst s8  }
0x11: {  	[smem:$0x3FB3] =	sst s9;
	s0 =	simm.s32 @!p0 $0x0  }
0x12: {  	s1 =	sld [smem:$0x3F99];
	s0 =	simm.s32 @p0 $0x1  }
0x13: {  	[smem:$0x3FB4] =	sst s0;
	s0 =	simm.s32 @!p1 $0x0  }
0x14: {  	s2 =	sld [smem:$0x3F98];
	s0 =	simm.s32 @p1 $0x1  }
0x15: {  	[smem:$0x3FB5] =	sst s0;
	s0 =	simm.s32 @!p2 $0x0  }
0x16: {  	s3 =	sld [smem:$0x3FDB];
	s0 =	simm.s32 @p2 $0x1  }
0x17: {  	s4 =	simm.s32 $0x1BF5;
	[smem:$0x3FB7] =	sst s0  }
0x18: {  	s0 =	sld [smem:$0x3F9A];
	_ =	swait.ge [sflag:s4], $0x0  }
0x19: {  	s7 =	sld [smem:$0x3F9B]  }
0x1a: {  	s8 =	sadd.s32 $0xFFFFE003, lr  }
0x1b: {  	s9 =	sadd.s32 $0xFFFFFEF7, lr;
	s5 =	simm.s32 $0xFFFFFFFF;
	p2 =	slt.u32 s8, $0xFFFFF086  }
0x1c: {  	p1 =	slt.u32 s9, $0xF7A;
	s5 =	simm.s32 @!p2 $0x0  }
0x1d: {  	s5 =	simm.s32 @p1 $0x1;
	p0 =	seq.s32 s7, s2  }
0x1e: {  	s7 =	smul.u32 @!p0 $0xF7A, s2;
	p2 =	seq.s32 @!p0 s5, $0x0  }
0x1f: {  	s9 =	smul.u32 $0xF7A, s1;
	s8 =	simm.s32 @!p0 $0x1BF5;
	p2 =	por !p2, p0  }
0x20: {  	[sflag:s8] =	ssyncset.s32 @!p0 $0xFFFFF086;
	s6 =	sadd.s32 @!p0 s3, s7;
	s7 =	simm.s32 @!p0 $0x108  }
0x21: {  	s3 =	sadd.s32 s3, s9;
	s6 =	sadd.s32 @!p0 $0x88, s6;
	s7 =	simm.s32 @p2 $0x1082  }
0x22: {  	[simem:s7], [sflag:s8] =	dma.local @!p0 [hbm:s6], $0xF7A  }
0x23: {  	s9 =	sor.u32 $0xD0000000, s2;
	s6 =	simm.s32 $0x108;
	_ =	swait.ge @!p0 [sflag:s8], $0x0  }
0x24: {  	s3 =	sadd.s32 $0x88, s3;
	s6 =	simm.s32 @!p1 $0x1082;
	[sflag:s4] =	ssyncset.s32 $0xFFFFF086  }
0x25: {  	[simem:s6], [sflag:s4] =	dma.local [hbm:s3], $0xF7A  }
0x26: {  	[smem:$0x3F9B] =	sst s1;
	(tag) =	ssettag s2;
	_ =	strace s9  }
0x27: {  	s1 =	sld [smem:$0x3FAB]  }
0x28: {  	s2 =	sld [smem:$0x3FAC]  }
0x29: {  	s4 =	sld [smem:$0x3FAE]  }
0x2a: {  	p0 =	seq.s32 s5, $0x0;
	s5 =	sld [smem:$0x3FAF]  }
0x2b: {  	s6 =	sld [smem:$0x3FB0]  }
0x2c: {  	s7 =	sld [smem:$0x3FB1]  }
0x2d: {  	s3 =	simm.s32 $0x108;
	s8 =	sld [smem:$0x3FB2]  }
0x2e: {  	s3 =	simm.s32 @!p0 $0x1082;
	s9 =	sld [smem:$0x3FB3]  }
0x2f: {  	lr =	sadd.s32 s0, s3;
	s0 =	sld [smem:$0x3FAA]  }
0x30: {  	s3 =	sld [smem:$0x3FAD]  }
0x31: {  	[smem:$0x3FB6] =	sst s10  }
0x32: {  	s10 =	sld [smem:$0x3FB4];
	_ =	sdelay $0x3  }
0x33: {  	p0 =	seq.s32 s10, $0x1;
	s10 =	sld [smem:$0x3FB6];
	_ =	sdelay $0x3  }
0x34: {  	[smem:$0x3FB6] =	sst s10  }
0x35: {  	s10 =	sld [smem:$0x3FB5];
	_ =	sdelay $0x3  }
0x36: {  	p1 =	seq.s32 s10, $0x1;
	s10 =	sld [smem:$0x3FB6];
	_ =	sdelay $0x3  }
0x37: {  	[smem:$0x3FB6] =	sst s10  }
0x38: {  	s10 =	sld [smem:$0x3FB7]  }
0x39: {  	_ = 	snop;
	(pc) =	sbr.ind lr, $3  }
0x3a: {  	_ = 	snop  }
0x3b: {  	_ = 	snop  }
0x3c: {  	p2 =	seq.s32 s10, $0x1;
	s10 =	sld [smem:$0x3FB6]  }
0x3d: {  	_ =	shalt  }
0x3e: {  	_ =	shalt  }
0x3f: {  	_ =	shalt  }
0x40: {  	_ =	shalt  }
0x41: {  	_ =	shalt  }
0x42: {  	_ =	shalt  }
0x43: {  	_ =	shalt  }
0x44: {  	_ =	shalt  }
0x45: {  	_ =	shalt  }
0x46: {  	_ =	shalt  }
0x47: {  	_ =	shalt  }
0x48: {  	_ =	shalt  }
0x49: {  	_ =	shalt  }
0x4a: {  	_ =	shalt  }
0x4b: {  	_ =	shalt  }
0x4c: {  	_ =	shalt  }
0x4d: {  	_ =	shalt  }
0x4e: {  	_ =	shalt  }
0x4f: {  	_ =	shalt  }
0x50: {  	_ =	shalt  }
0x51: {  	_ =	shalt  }
0x52: {  	_ =	shalt  }
0x53: {  	_ =	shalt  }
0x54: {  	_ =	shalt  }
0x55: {  	_ =	shalt  }
0x56: {  	_ =	shalt  }
0x57: {  	_ =	shalt  }
0x58: {  	_ =	shalt  }
0x59: {  	_ =	shalt  }
0x5a: {  	_ =	shalt  }
0x5b: {  	_ =	shalt  }
0x5c: {  	_ =	shalt  }
0x5d: {  	_ =	shalt  }
0x5e: {  	_ =	shalt  }
0x5f: {  	_ =	shalt  }
0x60: {  	_ =	shalt  }
0x61: {  	_ =	shalt  }
0x62: {  	_ =	shalt  }
0x63: {  	_ =	shalt  }
0x64: {  	_ =	shalt  }
0x65: {  	_ =	shalt  }
0x66: {  	_ =	shalt  }
0x67: {  	_ =	shalt  }
0x68: {  	_ =	shalt  }
0x69: {  	_ =	shalt  }
0x6a: {  	_ =	shalt  }
0x6b: {  	_ =	shalt  }
0x6c: {  	_ =	shalt  }
0x6d: {  	_ =	shalt  }
0x6e: {  	_ =	shalt  }
0x6f: {  	_ =	shalt  }
0x70: {  	_ =	shalt  }
0x71: {  	_ =	shalt  }
0x72: {  	_ =	shalt  }
0x73: {  	_ =	shalt  }
0x74: {  	_ =	shalt  }
0x75: {  	_ =	shalt  }
0x76: {  	_ =	shalt  }
0x77: {  	_ =	shalt  }
0x78: {  	_ =	shalt  }
0x79: {  	_ =	shalt  }
0x7a: {  	_ =	shalt  }
0x7b: {  	_ =	shalt  }
0x7c: {  	_ =	shalt  }
0x7d: {  	_ =	shalt  }
0x7e: {  	_ =	shalt  }
0x7f: {  	_ =	shalt  }
0x80: {  	_ =	shalt  }
0x81: {  	_ =	shalt  }
0x82: {  	_ =	shalt  }
0x83: {  	_ =	shalt  }
0x84: {  	_ =	shalt  }
0x85: {  	_ =	shalt  }
0x86: {  	_ =	shalt  }
0x87: {  	_ =	shalt  }
.Lfunc_end0:
.L_simem_size_0:
called_computation_lowered:
.L_overlay_start_0:
0x88: {  	s2 =	sld [smem:$0x3FD9]  }
0x89: {  	s3 =	sld [smem:$0x3FFE];
	_ =	sdelay $0x1  }
0x8a: {  	s1 =	srdreg.scid  }
0x8b: {  	s0 =	sand.u32 $0x1, s1  }
0x8c: {  	s16 =	sshll.u32 s0, $0xA;
	s2 =	sadd.s32 s3, s2  }
0x8d: {  	s2 =	sadd.s32 s2, s16  }
0x8e: {  	[smem:$0x3FC2] =	sst s2  }
0x8f: {  	_ = 	snop  }
0x90: {  	(tm) =	ssettm $0x1  }
0x91: {  	s17 =	sld [smem:$0x3FFB];
	_ =	sdelay $0x3  }
0x92: {  	_ =	strace s17  }
0x93: {  	s2 =	sld [smem:$0x3FFC];
	_ =	sdelay $0x3  }
0x94: {  	_ =	strace s2  }
0x95: {  	s2 =	sld [smem:$0x3FFD];
	_ =	sdelay $0x3  }
0x96: {  	_ =	strace s2  }
0x97: {  	_ =	strace $0x8FFFFFFF  }
0x98: {  	s18 =	sld [smem:$0x3FDB];
	_ =	sdelay $0x1  }
0x99: {  	s19 =	simm.s32 $_scs_section_size  }
0x9a: {  	s4 =	simm.s32 $_size__tile_overlayer_lowered;
	s5 =	simm.s32 $_tile_overlayer_lowered  }
0x9b: {  	s22 =	simm.s32 $0x1BFF;
	s21 =	sshll.u32 s5, $0x1;
	s2 =	sadd.s32 s19, s18  }
0x9c: {  	s6 =	simm.s32 $0x0;
	s20 =	sshll.u32 s4, $0x1;
	s4 =	sadd.s32 s21, s2  }
0x9d: {  	[timem:s6], [sflag:s22] =	dma.local [hbm:s4], s20  }
0x9e: {  	_ =	swait.ge [sflag:s22], s20  }
0x9f: {  	s3 =	ssub.s32 $0x0, s20;
	[sflag:s22] =	ssyncset.done $0x0  }
0xa0: {  	[sflag:s22] =	ssyncadd.s32 s3;
	_ =	sdelay $0x1  }
0xa1: {  	s23 =	simm.s32 $0x1B8B  }
0xa2: {  	_ =	swait.ge [sflag:s23], $0x1  }
0xa3: {  	[sflag:s23] =	ssyncset.done $0x0  }
0xa4: {  	s25 =	simm.s32 $0x1B8E;
	s24 =	sld [smem:$0x3FFE];
	[sflag:s23] =	ssyncadd.s32 $0xFFFFFFFF  }
0xa5: {  	s26 =	simm.s32 $execute0_lowered;
	[smem:$0x3FD2] =	sst s25  }
0xa6: {  	s4 =	sshll.u32 s26, $0x1;
	_ =	strace $0x80000046;
	[dreg:$0x1] =	wrdreg $0xFFFFFFFF  }
0xa7: {  	s28 =	simm.s32 $_size_execute0_lowered;
	s2 =	sadd.s32 s2, s4;
	[dreg:$0x0] =	wrdreg $0x0  }
0xa8: {  	s4 =	sshll.u32 s28, $0x1;
	[dreg:$0x2] =	wrdreg s2  }
0xa9: {  	[dreg:$0x3] =	wrdreg s4  }
0xaa: {  	[dreg:$0x4] =	wrdreg $0xC0  }
0xab: {  	_ =	task [dreg:s6], $0x5FFFF  }
0xac: {  	[dreg:$0x1] =	wrdreg $0xFFFFFFFF  }
0xad: {  	[dreg:$0x0] =	wrdreg $0x60  }
0xae: {  	[dreg:$0x2] =	wrdreg s24  }
0xaf: {  	[dreg:$0x3] =	wrdreg $0x90000  }
0xb0: {  	[dreg:$0x4] =	wrdreg $0x9  }
0xb1: {  	_ =	task.clear_ibuf [dreg:s6], $0x5FFFF;
	_ =	strace $0x90000046  }
0xb2: {  	s29 =	simm.s32 $0x9;
	_ =	strace $0x80000048  }
0xb3: {  	_ =	swait.ge [sflag:s29], $0x1  }
0xb4: {  	[sflag:s29] =	ssyncadd.s32 $0xFFFFFFFF  }
0xb5: {  	_ =	strace $0x90000048  }
0xb6: {  	_ =	sfence  }
0xb7: {  	s30 =	sld [smem:$0x0];
	_ =	sdelay $0x2  }
0xb8: {  	s31 =	sshll.u32 s1, $0xD;
	s1 =	sshrl.u32 s1, $0x2  }
0xb9: {  	s3 =	sand.u32 $0x4000, s31;
	s1 =	sadd.s32 s1, s30  }
0xba: {  	s0 =	sor.u32 s3, s0;
	s1 =	sshll.u32 s1, $0x11  }
0xbb: {  	s0 =	sor.u32 s1, s0  }
0xbc: {  	s0 =	sadd.s32 $0x8F2B, s0  }
0xbd: {  	[sflag:s0] =	ssyncadd.remote.s32 $0x1  }
0xbe: {  	_ =	sfence.sel $0xFFFF  }
0xbf: {  	[dreg:$0x0] =	wrdreg $0xFFFFFFFF;
	(pc) =	sbr.abs _section_cstart, $3  }
0xc0: {  	[dreg:$0x1] =	wrdreg $0xFFFFFFFF  }
0xc1: {  	_ =	task.clear_ibuf [dreg:s6], $0x2FFFF;
	_ =	strace $0x9FFFFFFF  }
0xc2: {  	(tm) =	ssettm $0x7FFFFFFF  }
0xc3: {  	_ =	shalt  }
tec
execute0_lowered:
.L_overlay_start_1:
0x0: {  	(tag) =	ssettag $0x1  }
0x1: {  	s5 =	rddreg [dreg:$0x0];
	s0 =	srdreg.scid  }
0x2: {  	s2 =	rddreg [dreg:$0x1];
	s1 =	stileid.u32;
	s3 =	simm.s32 $0x0  }
0x3: {  	s15 =	simm.s32 $0x6800;
	s16 =	simm.s32 $0x1;
	s17 =	simm.s32 $0x50  }
0x4: {  	s8 =	sand.u32 $0x1, s0;
	s0 =	rddreg [dreg:$0x2];
	s6 =	smul.u32 $0x14000, s1  }
0x5: {  	s18 =	simm.s32 $0x4000;
	[smem:$0x7FF] =	sst s3;
	s9 =	smul.u32 $0x50000, s1  }
0x6: {  	s7 =	sshll.u32 s1, $0xB;
	s19 =	sshll.u32 s1, $0x6;
	s4 =	smul.u32 $0x140000, s8  }
0x7: {  	_ =	strace $0x80000047;
	s10 =	sadd.s32 s7, s5;
	s28 =	ssub.s32 $0x2, s8  }
0x8: {  	s31 =	sshll.u32 s8, $0xF;
	s19 =	sor.u32 $0x1C01, s19;
	s29 =	sshrl.u32 s9, $0x2  }
0x9: {  	s11 =	sshrl.u32 s28, $0x1;
	s12 =	sadd.s32 s31, s10;
	s4 =	sadd.s32 s6, s4  }
0xa: {  	s14 =	ssub.s32 s28, s11;
	s12 =	sadd.s32 $0x3400, s12;
	s30 =	sshrl.u32 s4, $0x3  }
0xb: {  	s4 =	sadd.s32 s29, s2;
	s14 =	smax.u32 s14, $0x1;
	s13 =	sadd.s32 s30, s5  }
0xc: {  	s5 =	sadd.s32 $0x2800, s4;
	s6 =	sadd.s32 $0x5000, s4;
	s7 =	sadd.s32 $0x7800, s4  }
0xd: {  	s8 =	sadd.s32 $0xA000, s4;
	s9 =	sadd.s32 $0xC800, s4;
	s10 =	sadd.s32 $0xF000, s4  }
0xe: {  	v0 =	vimm.f32 $0.0e+00;
	v1 =	vimm.f32 $1.000000000e+00;
	s11 =	sadd.s32 $0x11800, s4;
	s20 =	sshrl.u32 s4, $0x3;
	s13 =	sadd.s32 $0x13400, s13  }
.LBB2_1:
0xf: {  	s21 =	simm.s32 $0x0  }
.LBB2_2:
0x10: {  	p0 =	sne.s32 s21, $0x9E00  }
.Ltmp0:
0x11: {  	_ = 	snop;
	(pc) =	sbr.rel @p0 .LBB2_2-.Ltmp0, $3  }
0x12: {  	_ =	sdelay $0x1  }
0x13: {  	s22 =	sshra.s32 s21, $0x2  }
0x14: {  	s21 =	sadd.s32 $0x200, s21;
	[tilespmem:s22+$0x6800] =	vst v0  }
0x15: {  	s21 =	simm.s32 $0x200;
	s22 =	simm.s32 $0x0  }
.LBB2_4:
0x16: {  	p0 =	sne.s32 s21, $0x9E00;
	[tilespmem:s22+$0x4000] =	vst v1;
	s22 =	smov.u32 s21;
	s21 =	sadd.s32 $0x200, s21  }
.Ltmp1:
0x17: {  	(pc) =	sbr.rel @p0 .LBB2_4-.Ltmp1, $2  }
0x18: {  	_ =	sdelay $0x2  }
0x19: {  	s22 =	sshra.s32 s22, $0x2  }
0x1a: {  	[tilespmem:s22+$0x4000] =	vst v1  }
0x1b: {  	[spmem:s4] =	stream.linear.scatter [tilespmem:s15], [sflag:$0x1], $0x2800, $0x38;
	[tilespmem:$0xB800] =	vst v63  }
0x1c: {  	_ =	swait.ge [sflag:s16], $0x2800  }
0x1d: {  	[sflag:s16] =	ssyncset.done $0x0  }
0x1e: {  	[sflag:s16] =	ssyncadd.s32 $0xFFFFD800  }
0x1f: {  	[spmem:s5] =	stream.linear.scatter [tilespmem:s15], [sflag:$0x1], $0x2800, $0x38;
	[tilespmem:$0xB800] =	vst v63  }
0x20: {  	_ =	swait.ge [sflag:s16], $0x2800  }
0x21: {  	[sflag:s16] =	ssyncset.done $0x0  }
0x22: {  	[sflag:s16] =	ssyncadd.s32 $0xFFFFD800  }
0x23: {  	[spmem:s6] =	stream.linear.scatter [tilespmem:s15], [sflag:$0x1], $0x2800, $0x38;
	[tilespmem:$0xB800] =	vst v63  }
0x24: {  	_ =	swait.ge [sflag:s16], $0x2800  }
0x25: {  	[sflag:s16] =	ssyncset.done $0x0  }
0x26: {  	[sflag:s16] =	ssyncadd.s32 $0xFFFFD800  }
0x27: {  	[spmem:s7] =	stream.linear.scatter [tilespmem:s15], [sflag:$0x1], $0x2800, $0x38;
	[tilespmem:$0xB800] =	vst v63  }
0x28: {  	_ =	swait.ge [sflag:s16], $0x2800  }
0x29: {  	[sflag:s16] =	ssyncset.done $0x0  }
0x2a: {  	[sflag:s16] =	ssyncadd.s32 $0xFFFFD800  }
0x2b: {  	[spmem:s8] =	stream.linear.scatter [tilespmem:s15], [sflag:$0x1], $0x2800, $0x38;
	[tilespmem:$0xB800] =	vst v63  }
0x2c: {  	_ =	swait.ge [sflag:s16], $0x2800  }
0x2d: {  	[sflag:s16] =	ssyncset.done $0x0  }
0x2e: {  	[sflag:s16] =	ssyncadd.s32 $0xFFFFD800  }
0x2f: {  	[spmem:s9] =	stream.linear.scatter [tilespmem:s15], [sflag:$0x1], $0x2800, $0x38;
	[tilespmem:$0xB800] =	vst v63  }
0x30: {  	_ =	swait.ge [sflag:s16], $0x2800  }
0x31: {  	[sflag:s16] =	ssyncset.done $0x0  }
0x32: {  	[sflag:s16] =	ssyncadd.s32 $0xFFFFD800  }
0x33: {  	[spmem:s10] =	stream.linear.scatter [tilespmem:s15], [sflag:$0x1], $0x2800, $0x38;
	[tilespmem:$0xB800] =	vst v63  }
0x34: {  	_ =	swait.ge [sflag:s16], $0x2800  }
0x35: {  	[sflag:s16] =	ssyncset.done $0x0  }
0x36: {  	[sflag:s16] =	ssyncadd.s32 $0xFFFFD800  }
0x37: {  	[spmem:s11] =	stream.linear.scatter [tilespmem:s15], [sflag:$0x1], $0x2800, $0x38;
	[tilespmem:$0xB800] =	vst v63  }
0x38: {  	_ =	swait.ge [sflag:s16], $0x2800  }
0x39: {  	[sflag:s16] =	ssyncset.done $0x0  }
0x3a: {  	s21 =	simm.s32 $0x0;
	[sflag:s16] =	ssyncadd.s32 $0xFFFFD800  }
0x3b: {  	[tilespmem:s21], [sflag:$0x1] =	stream.linear.gather [hbm4b:s12+s21], $0x3E80, $0x38;
	[tilespmem:$0xB800] =	vst v63  }
0x3c: {  	_ =	swait.ge [sflag:s16], $0x3E80  }
0x3d: {  	[sflag:s16] =	ssyncset.done $0x0  }
0x3e: {  	[sflag:s16] =	ssyncadd.s32 $0xFFFFC180  }
0x3f: {  	s31 =	simm.s32 $0x0;
	[bflag:$0x0] =	sbarrier.arrive $0xFFFF  }
0x40: {  	[spmem:s2] =	stream.indirect.scatter.add.f32 [tilespmem:s18], [sflag:$0x1], $0x10, s31, s17, $0xb8;
	[tilespmem:$0xB800] =	vst v63  }
0x41: {  	_ =	swait.ge [sflag:s16], $0x500  }
0x42: {  	s21 =	simm.s32 $0x200;
	[sflag:s16] =	ssyncset.done $0x0  }
.LBB2_6:
0x43: {  	s22 =	sshra.s32 s21, $0x2;
	[sflag:s16] =	ssyncadd.s32 $0xFFFFFB00;
	p0 =	sne.s32 s21, $0xF800  }
0x44: {  	[spmem:s2] =	stream.indirect.scatter.add.f32 [tilespmem:s18], [sflag:$0x1], $0x10, s22, s17, $0xb8;
	[tilespmem:$0xB800] =	vst v63  }
.Ltmp2:
0x45: {  	_ = 	snop;
	(pc) =	sbr.rel @p0 .LBB2_6-.Ltmp2, $4  }
0x46: {  	_ = 	snop  }
0x47: {  	s21 =	sadd.s32 $0x200, s21  }
0x48: {  	_ =	swait.ge [sflag:s16], $0x500  }
0x49: {  	[sflag:s16] =	ssyncset.done $0x0  }
0x4a: {  	s3 =	sadd.s32 $0x1, s3  }
0x4b: {  	[sflag:s16] =	ssyncadd.s32 $0xFFFFFB00;
	p0 =	sne.s32 s3, s14  }
.Ltmp3:
0x4c: {  	[bflag:$0x0] =	sbarrier.arrive $0xFFFF;
	(pc) =	sbr.rel @p0 .LBB2_1-.Ltmp3, $4  }
0x4d: {  	[hbm:s13], [sflag:s19] =	dma.local [spmem:s20], $0x2800  }
0x4e: {  	_ =	swait.ge [sflag:s16], $0x2800  }
0x4f: {  	[sflag:s16] =	ssyncset.done $0x0  }
0x50: {  	[sflag:s16] =	ssyncadd.s32 $0xFFFFD800  }
0x51: {  	_ =	sfence.sel $0x180000  }
0x52: {  	[bflag:$0x0] =	sbarrier.arrive $0xFFFF  }
0x53: {  	p0 =	sne.s32 s1, $0x0;
	_ =	strace $0x90000047  }
0x54: {  	s0 =	sadd.s32 @!p0 $0x100000, s0;
	[bflag:$0x2] =	sbarrier.arrive $0xFFFF  }
0x55: {  	[sflag:s0] =	ssyncadd.tile.s32 @!p0 $0x1;
	_ =	shalt  }
.Lfunc_end2:
_tile_overlayer_lowered:
.L_overlay_start_2:
0x56: {  	(tag) =	ssettag $0x2  }
0x57: {  	s0 =	rddreg [dreg:$0x0];
	s2 =	stileid.u32  }
0x58: {  	s1 =	rddreg [dreg:$0x1];
	p0 =	sne.s32 s2, $0x0  }
0x59: {  	s3 =	rddreg [dreg:$0x2];
	[bflag:$0x3] =	sbarrier.arrive $0xFFFF;
	s2 =	simm.s32 @!p0 $0x1C01  }
0x5a: {  	[timem:s3], [sflag:s2] =	dma.local @!p0 [hbm:s0], s1  }
0x5b: {  	s0 =	simm.s32 @!p0 $0x1  }
0x5c: {  	_ =	swait.ge @!p0 [sflag:s0], s1  }
0x5d: {  	s1 =	ssub.s32 @!p0 $0x0, s1;
	[sflag:s0] =	ssyncset.done @!p0 $0x0  }
0x5e: {  	[sflag:s0] =	ssyncadd.s32 @!p0 s1  }
0x5f: {  	[bflag:$0x3] =	sbarrier.arrive $0xFFFF  }
0x60: {  	_ =	shalt  }

</sc_bundles>
